<compile_context>
chip_gen: v7x
topology: tpu7x:2x2x1
jax: 0.10.2.dev20260603
libtpu: 0.0.44.dev20260713+nightly
codegen_flags: <defaults>
</compile_context>

<pallas_src>
import functools

import jax
import jax.numpy as jnp
from jax import lax
from jax.experimental import pallas as pl
from jax.experimental.pallas import tpu as pltpu
from jax.experimental.pallas import tpu_sc as plsc

NC = 2
NS = 16
L = 16
NW = NC * NS

B = 16384
D = 64
BPW = B // NW
CH = 128
NCH = BPW // CH

_mesh = plsc.VectorSubcoreMesh(core_axis_name="c", subcore_axis_name="s")


@functools.partial(
    pl.kernel,
    mesh=_mesh,
    out_type=jax.ShapeDtypeStruct((B,), jnp.float32),
    compiler_params=pltpu.CompilerParams(
        needs_layout_passes=False, use_tc_tiling_on_sc=False),
    scratch_types=[
        pltpu.VMEM((NCH, CH), jnp.int32),
        pltpu.VMEM((NCH, CH), jnp.int32),
        pltpu.VMEM((BPW, D), jnp.bfloat16),
        pltpu.VMEM((BPW, D), jnp.bfloat16),
        pltpu.VMEM((BPW,), jnp.float32),
        pltpu.VMEM((BPW,), jnp.float32),
        pltpu.VMEM((BPW,), jnp.float32),
        pltpu.SemaphoreType.DMA,
    ],
)
def _mf_fwd(user_hbm, item_hbm, ue_hbm, ie_hbm, ub_hbm, ib_hbm, out_hbm,
            uidx, iidx, urows, irows, ubias, ibias, outv, sem):
    wid = lax.axis_index("c") * NS + lax.axis_index("s")
    base = pl.multiple_of(wid * BPW, BPW)

    crow = pl.multiple_of(wid * NCH, NCH)
    pltpu.sync_copy(user_hbm.at[pl.ds(crow, NCH)], uidx)
    pltpu.sync_copy(item_hbm.at[pl.ds(crow, NCH)], iidx)

    copies = []
    for j in range(NCH):
        dst = pl.ds(j * CH, CH)
        copies.append(pltpu.async_copy(ue_hbm.at[uidx.at[j]], urows.at[dst], sem))
        copies.append(pltpu.async_copy(ie_hbm.at[iidx.at[j]], irows.at[dst], sem))
        copies.append(pltpu.async_copy(ub_hbm.at[uidx.at[j]], ubias.at[dst], sem))
        copies.append(pltpu.async_copy(ib_hbm.at[iidx.at[j]], ibias.at[dst], sem))
    for c in copies:
        c.wait()

    lane = lax.iota(jnp.int32, L)
    last_lane = lane == (L - 1)
    G = 16

    def body(g, carry):
        gb = pl.multiple_of(g * G, G)
        for k in range(G):
            b = gb + k
            acc = None
            for c in range(D // 32):
                up = plsc.unpack(urows[b, pl.ds(c * 32, 32)],
                                 format=plsc.PackFormat.INTERLEAVED)
                ip = plsc.unpack(irows[b, pl.ds(c * 32, 32)],
                                 format=plsc.PackFormat.INTERLEAVED)
                for h in range(2):
                    t = up[h] * ip[h]
                    acc = t if acc is None else acc + t
            total = plsc.cumsum(acc)
            idxv = jnp.full((L,), b, jnp.int32)
            plsc.store_scatter(outv, [idxv], total, mask=last_lane)
        return carry

    lax.fori_loop(0, BPW // G, body, 0)

    for g in range(BPW // L):
        s = pl.ds(g * L, L)
        outv[s] = outv[s] + ubias[s] + ibias[s]

    pltpu.sync_copy(outv, out_hbm.at[pl.ds(base, BPW)])


def kernel(user, item, user_e, item_e, user_b, item_b):
    u2 = user.astype(jnp.int32).reshape(B // CH, CH)
    i2 = item.astype(jnp.int32).reshape(B // CH, CH)
    return _mf_fwd(u2, i2, user_e.astype(jnp.bfloat16),
                   item_e.astype(jnp.bfloat16),
                   user_b.reshape(-1), item_b.reshape(-1))

# --- scband reference (transcript-rebuilt; emitter-appended) ---
"""Pipeline reference for scband-mf-ips-29102698398370 (READ-ONLY COPY).

The authoritative reference and input builder live on the scoring server;
editing this copy changes nothing except your own understanding.
"""

import jax, jax.numpy as jnp
import numpy as np

NUM_USERS = 100000
NUM_ITEMS = 100000
EMBED_DIM = 64
BATCH = 16384

def setup_inputs(seed: int = 0) -> dict:
    key = jax.random.key(seed)
    k1, k2, k3, k4, k5, k6 = jax.random.split(key, 6)
    user = jax.random.randint(k1, (BATCH,), 0, NUM_USERS, dtype=jnp.int64 if jax.config.jax_enable_x64 else jnp.int32)
    item = jax.random.randint(k2, (BATCH,), 0, NUM_ITEMS, dtype=jnp.int64 if jax.config.jax_enable_x64 else jnp.int32)
    user_e = jax.random.normal(k3, (NUM_USERS, EMBED_DIM), dtype=jnp.float32) * 0.1
    item_e = jax.random.normal(k4, (NUM_ITEMS, EMBED_DIM), dtype=jnp.float32) * 0.1
    user_b = jax.random.normal(k5, (NUM_USERS, 1), dtype=jnp.float32) * 0.1
    item_b = jax.random.normal(k6, (NUM_ITEMS, 1), dtype=jnp.float32) * 0.1
    return {"user": user, "item": item, "user_e": user_e, "item_e": item_e, "user_b": user_b, "item_b": item_b}

def reference(user, item, user_e, item_e, user_b, item_b):
    # MF_IPS.forward
    user_embedding = jnp.take(user_e, user, axis=0)          # [B, D]
    item_embedding = jnp.take(item_e, item, axis=0)          # [B, D]
    preds = jnp.take(user_b, user, axis=0)                   # [B, 1]
    preds = preds + jnp.take(item_b, item, axis=0)           # [B, 1]
    preds = preds + jnp.sum(user_embedding * item_embedding, axis=1, keepdims=True)
    return jnp.squeeze(preds)                                # [B]

if __name__ == "__main__":
    import jax
    _d = setup_inputs()
    print(jax.jit(kernel)(*tuple(_d.values())))

</pallas_src>

<mosaic_0001>
#map = affine_map<(d0, d1) -> (0, 0)>
#map1 = affine_map<(d0, d1) -> (0)>
module attributes {stable_mosaic.version = 14 : i64} {
  func.func @_mf_fwd(%arg0: i32, %arg1: i32, %arg2: memref<128x128xi32, #tpu.memory_space<hbm>>, %arg3: memref<128x128xi32, #tpu.memory_space<hbm>>, %arg4: memref<100000x64xbf16, #tpu.memory_space<hbm>>, %arg5: memref<100000x64xbf16, #tpu.memory_space<hbm>>, %arg6: memref<100000xf32, #tpu.memory_space<hbm>>, %arg7: memref<100000xf32, #tpu.memory_space<hbm>>, %arg8: memref<16384xf32, #tpu.memory_space<hbm>>, %arg9: memref<4x128xi32, #tpu.memory_space<vmem>>, %arg10: memref<4x128xi32, #tpu.memory_space<vmem>>, %arg11: memref<512x64xbf16, #tpu.memory_space<vmem>>, %arg12: memref<512x64xbf16, #tpu.memory_space<vmem>>, %arg13: memref<512xf32, #tpu.memory_space<vmem>>, %arg14: memref<512xf32, #tpu.memory_space<vmem>>, %arg15: memref<512xf32, #tpu.memory_space<vmem>>, %arg16: memref<!tpu.dma_semaphore, #tpu.memory_space<semaphore_mem>>) attributes {dimension_semantics = [#tpu.dimension_semantics<core_parallel>, #tpu.dimension_semantics<subcore_parallel>], iteration_bounds = array<i64: 2, 16>, scalar_prefetch = 0 : i64, scratch_operands = 8 : i64, tpu.core_type = #tpu.core_type<sc_vector_subcore>, window_params = [{transform_indices = #map}, {transform_indices = #map}, {transform_indices = #map}, {transform_indices = #map}, {transform_indices = #map1}, {transform_indices = #map1}, {transform_indices = #map1}]} {
    %mul3A = arith.constant 16 : i32
    %mul3A_0 = arith.muli %arg0, %mul3A : i32
    %add3A = arith.addi %mul3A_0, %arg1 : i32
    %mul3A_1 = arith.constant 512 : i32
    %mul3A_2 = arith.muli %add3A, %mul3A_1 : i32
    %multiple_of3A = tpu.assume_multiple %mul3A_2, 512 : i32
    %mul3A_3 = arith.constant 4 : i32
    %mul3A_4 = arith.muli %add3A, %mul3A_3 : i32
    %multiple_of3A_5 = tpu.assume_multiple %mul3A_4, 4 : i32
    "tpu.region"() ({
      %run_scoped3A = tpu.sem_alloc : memref<!tpu.dma_semaphore, #tpu.memory_space<semaphore_mem>>
      %dma_start3A_617 = arith.constant 0 : i32
      %dma_start3A_618 = tpu.memref_slice %arg2[%multiple_of3A_5, %dma_start3A_617] : memref<128x128xi32, #tpu.memory_space<hbm>> -> memref<4x128xi32, #tpu.memory_space<hbm>>
      %dma_start3A_619 = arith.constant 0 : i32
      %dma_start3A_620 = tpu.memref_slice %arg2[%multiple_of3A_5, %dma_start3A_619] : memref<128x128xi32, #tpu.memory_space<hbm>> -> memref<4x128xi32, #tpu.memory_space<hbm>>
      tpu.enqueue_dma source(%dma_start3A_620 : memref<4x128xi32, #tpu.memory_space<hbm>>) target(%arg9 : memref<4x128xi32, #tpu.memory_space<vmem>>) target_semaphore(%run_scoped3A : memref<!tpu.dma_semaphore, #tpu.memory_space<semaphore_mem>>)
      %dma_wait3A_621 = arith.constant 0 : i32
      %dma_wait3A_622 = tpu.memref_slice %arg2[%multiple_of3A_5, %dma_wait3A_621] : memref<128x128xi32, #tpu.memory_space<hbm>> -> memref<4x128xi32, #tpu.memory_space<hbm>>
      %dma_wait3A_623 = arith.constant 0 : i32
      %dma_wait3A_624 = tpu.memref_slice %arg2[%multiple_of3A_5, %dma_wait3A_623] : memref<128x128xi32, #tpu.memory_space<hbm>> -> memref<4x128xi32, #tpu.memory_space<hbm>>
      tpu.wait_dma2 semaphore(%run_scoped3A : memref<!tpu.dma_semaphore, #tpu.memory_space<semaphore_mem>>) src(%dma_wait3A_624 : memref<4x128xi32, #tpu.memory_space<hbm>>) dst(%arg9 : memref<4x128xi32, #tpu.memory_space<vmem>>)
      tpu.yield
    }) : () -> ()
    "tpu.region"() ({
      %run_scoped3A = tpu.sem_alloc : memref<!tpu.dma_semaphore, #tpu.memory_space<semaphore_mem>>
      %dma_start3A_617 = arith.constant 0 : i32
      %dma_start3A_618 = tpu.memref_slice %arg3[%multiple_of3A_5, %dma_start3A_617] : memref<128x128xi32, #tpu.memory_space<hbm>> -> memref<4x128xi32, #tpu.memory_space<hbm>>
      %dma_start3A_619 = arith.constant 0 : i32
      %dma_start3A_620 = tpu.memref_slice %arg3[%multiple_of3A_5, %dma_start3A_619] : memref<128x128xi32, #tpu.memory_space<hbm>> -> memref<4x128xi32, #tpu.memory_space<hbm>>
      tpu.enqueue_dma source(%dma_start3A_620 : memref<4x128xi32, #tpu.memory_space<hbm>>) target(%arg10 : memref<4x128xi32, #tpu.memory_space<vmem>>) target_semaphore(%run_scoped3A : memref<!tpu.dma_semaphore, #tpu.memory_space<semaphore_mem>>)
      %dma_wait3A_621 = arith.constant 0 : i32
      %dma_wait3A_622 = tpu.memref_slice %arg3[%multiple_of3A_5, %dma_wait3A_621] : memref<128x128xi32, #tpu.memory_space<hbm>> -> memref<4x128xi32, #tpu.memory_space<hbm>>
      %dma_wait3A_623 = arith.constant 0 : i32
      %dma_wait3A_624 = tpu.memref_slice %arg3[%multiple_of3A_5, %dma_wait3A_623] : memref<128x128xi32, #tpu.memory_space<hbm>> -> memref<4x128xi32, #tpu.memory_space<hbm>>
      tpu.wait_dma2 semaphore(%run_scoped3A : memref<!tpu.dma_semaphore, #tpu.memory_space<semaphore_mem>>) src(%dma_wait3A_624 : memref<4x128xi32, #tpu.memory_space<hbm>>) dst(%arg10 : memref<4x128xi32, #tpu.memory_space<vmem>>)
      tpu.yield
    }) : () -> ()
    %dma_start3A = arith.constant 0 : i32
    %dma_start3A_6 = arith.constant 0 : i32
    %dma_start3A_7 = arith.constant 0 : i32
    %dma_start3A_8 = tpu.memref_slice %arg11[%dma_start3A_6, %dma_start3A_7] : memref<512x64xbf16, #tpu.memory_space<vmem>> -> memref<128x64xbf16, #tpu.memory_space<vmem>>
    %dma_start3A_9 = arith.constant 0 : i32
    %dma_start3A_10 = tpu.memref_slice %arg9[%dma_start3A, %dma_start3A_9] : memref<4x128xi32, #tpu.memory_space<vmem>> -> memref<1x128xi32, #tpu.memory_space<vmem>>
    %dma_start3A_11 = tpu.memref_squeeze %dma_start3A_10 : memref<1x128xi32, #tpu.memory_space<vmem>> -> memref<128xi32, #tpu.memory_space<vmem>>
    %dma_start3A_12 = arith.constant 0 : i32
    %dma_start3A_13 = arith.constant 0 : i32
    %dma_start3A_14 = tpu.memref_slice %arg4[%dma_start3A_12, %dma_start3A_13] : memref<100000x64xbf16, #tpu.memory_space<hbm>> -> memref<100000x64xbf16, #tpu.memory_space<hbm>>
    tpu.enqueue_indirect_dma source(%dma_start3A_14 : memref<100000x64xbf16, #tpu.memory_space<hbm>>) target(%dma_start3A_8 : memref<128x64xbf16, #tpu.memory_space<vmem>>) offsets(%dma_start3A_11 : memref<128xi32, #tpu.memory_space<vmem>>) semaphore(%arg16 : memref<!tpu.dma_semaphore, #tpu.memory_space<semaphore_mem>>)
    %dma_start3A_15 = arith.constant 0 : i32
    %dma_start3A_16 = arith.constant 0 : i32
    %dma_start3A_17 = arith.constant 0 : i32
    %dma_start3A_18 = tpu.memref_slice %arg12[%dma_start3A_16, %dma_start3A_17] : memref<512x64xbf16, #tpu.memory_space<vmem>> -> memref<128x64xbf16, #tpu.memory_space<vmem>>
    %dma_start3A_19 = arith.constant 0 : i32
    %dma_start3A_20 = tpu.memref_slice %arg10[%dma_start3A_15, %dma_start3A_19] : memref<4x128xi32, #tpu.memory_space<vmem>> -> memref<1x128xi32, #tpu.memory_space<vmem>>
    %dma_start3A_21 = tpu.memref_squeeze %dma_start3A_20 : memref<1x128xi32, #tpu.memory_space<vmem>> -> memref<128xi32, #tpu.memory_space<vmem>>
    %dma_start3A_22 = arith.constant 0 : i32
    %dma_start3A_23 = arith.constant 0 : i32
    %dma_start3A_24 = tpu.memref_slice %arg5[%dma_start3A_22, %dma_start3A_23] : memref<100000x64xbf16, #tpu.memory_space<hbm>> -> memref<100000x64xbf16, #tpu.memory_space<hbm>>
    tpu.enqueue_indirect_dma source(%dma_start3A_24 : memref<100000x64xbf16, #tpu.memory_space<hbm>>) target(%dma_start3A_18 : memref<128x64xbf16, #tpu.memory_space<vmem>>) offsets(%dma_start3A_21 : memref<128xi32, #tpu.memory_space<vmem>>) semaphore(%arg16 : memref<!tpu.dma_semaphore, #tpu.memory_space<semaphore_mem>>)
    %dma_start3A_25 = arith.constant 0 : i32
    %dma_start3A_26 = arith.constant 0 : i32
    %dma_start3A_27 = tpu.memref_slice %arg13[%dma_start3A_26] : memref<512xf32, #tpu.memory_space<vmem>> -> memref<128xf32, #tpu.memory_space<vmem>>
    %dma_start3A_28 = arith.constant 0 : i32
    %dma_start3A_29 = tpu.memref_slice %arg9[%dma_start3A_25, %dma_start3A_28] : memref<4x128xi32, #tpu.memory_space<vmem>> -> memref<1x128xi32, #tpu.memory_space<vmem>>
    %dma_start3A_30 = tpu.memref_squeeze %dma_start3A_29 : memref<1x128xi32, #tpu.memory_space<vmem>> -> memref<128xi32, #tpu.memory_space<vmem>>
    %dma_start3A_31 = arith.constant 0 : i32
    %dma_start3A_32 = tpu.memref_slice %arg6[%dma_start3A_31] : memref<100000xf32, #tpu.memory_space<hbm>> -> memref<100000xf32, #tpu.memory_space<hbm>>
    tpu.enqueue_indirect_dma source(%dma_start3A_32 : memref<100000xf32, #tpu.memory_space<hbm>>) target(%dma_start3A_27 : memref<128xf32, #tpu.memory_space<vmem>>) offsets(%dma_start3A_30 : memref<128xi32, #tpu.memory_space<vmem>>) semaphore(%arg16 : memref<!tpu.dma_semaphore, #tpu.memory_space<semaphore_mem>>)
    %dma_start3A_33 = arith.constant 0 : i32
    %dma_start3A_34 = arith.constant 0 : i32
    %dma_start3A_35 = tpu.memref_slice %arg14[%dma_start3A_34] : memref<512xf32, #tpu.memory_space<vmem>> -> memref<128xf32, #tpu.memory_space<vmem>>
    %dma_start3A_36 = arith.constant 0 : i32
    %dma_start3A_37 = tpu.memref_slice %arg10[%dma_start3A_33, %dma_start3A_36] : memref<4x128xi32, #tpu.memory_space<vmem>> -> memref<1x128xi32, #tpu.memory_space<vmem>>
    %dma_start3A_38 = tpu.memref_squeeze %dma_start3A_37 : memref<1x128xi32, #tpu.memory_space<vmem>> -> memref<128xi32, #tpu.memory_space<vmem>>
    %dma_start3A_39 = arith.constant 0 : i32
    %dma_start3A_40 = tpu.memref_slice %arg7[%dma_start3A_39] : memref<100000xf32, #tpu.memory_space<hbm>> -> memref<100000xf32, #tpu.memory_space<hbm>>
    tpu.enqueue_indirect_dma source(%dma_start3A_40 : memref<100000xf32, #tpu.memory_space<hbm>>) target(%dma_start3A_35 : memref<128xf32, #tpu.memory_space<vmem>>) offsets(%dma_start3A_38 : memref<128xi32, #tpu.memory_space<vmem>>) semaphore(%arg16 : memref<!tpu.dma_semaphore, #tpu.memory_space<semaphore_mem>>)
    %dma_start3A_41 = arith.constant 1 : i32
    %dma_start3A_42 = arith.constant 128 : i32
    %dma_start3A_43 = arith.constant 0 : i32
    %dma_start3A_44 = tpu.memref_slice %arg11[%dma_start3A_42, %dma_start3A_43] : memref<512x64xbf16, #tpu.memory_space<vmem>> -> memref<128x64xbf16, #tpu.memory_space<vmem>>
    %dma_start3A_45 = arith.constant 0 : i32
    %dma_start3A_46 = tpu.memref_slice %arg9[%dma_start3A_41, %dma_start3A_45] : memref<4x128xi32, #tpu.memory_space<vmem>> -> memref<1x128xi32, #tpu.memory_space<vmem>>
    %dma_start3A_47 = tpu.memref_squeeze %dma_start3A_46 : memref<1x128xi32, #tpu.memory_space<vmem>> -> memref<128xi32, #tpu.memory_space<vmem>>
    %dma_start3A_48 = arith.constant 0 : i32
    %dma_start3A_49 = arith.constant 0 : i32
    %dma_start3A_50 = tpu.memref_slice %arg4[%dma_start3A_48, %dma_start3A_49] : memref<100000x64xbf16, #tpu.memory_space<hbm>> -> memref<100000x64xbf16, #tpu.memory_space<hbm>>
    tpu.enqueue_indirect_dma source(%dma_start3A_50 : memref<100000x64xbf16, #tpu.memory_space<hbm>>) target(%dma_start3A_44 : memref<128x64xbf16, #tpu.memory_space<vmem>>) offsets(%dma_start3A_47 : memref<128xi32, #tpu.memory_space<vmem>>) semaphore(%arg16 : memref<!tpu.dma_semaphore, #tpu.memory_space<semaphore_mem>>)
    %dma_start3A_51 = arith.constant 1 : i32
    %dma_start3A_52 = arith.constant 128 : i32
    %dma_start3A_53 = arith.constant 0 : i32
    %dma_start3A_54 = tpu.memref_slice %arg12[%dma_start3A_52, %dma_start3A_53] : memref<512x64xbf16, #tpu.memory_space<vmem>> -> memref<128x64xbf16, #tpu.memory_space<vmem>>
    %dma_start3A_55 = arith.constant 0 : i32
    %dma_start3A_56 = tpu.memref_slice %arg10[%dma_start3A_51, %dma_start3A_55] : memref<4x128xi32, #tpu.memory_space<vmem>> -> memref<1x128xi32, #tpu.memory_space<vmem>>
    %dma_start3A_57 = tpu.memref_squeeze %dma_start3A_56 : memref<1x128xi32, #tpu.memory_space<vmem>> -> memref<128xi32, #tpu.memory_space<vmem>>
    %dma_start3A_58 = arith.constant 0 : i32
    %dma_start3A_59 = arith.constant 0 : i32
    %dma_start3A_60 = tpu.memref_slice %arg5[%dma_start3A_58, %dma_start3A_59] : memref<100000x64xbf16, #tpu.memory_space<hbm>> -> memref<100000x64xbf16, #tpu.memory_space<hbm>>
    tpu.enqueue_indirect_dma source(%dma_start3A_60 : memref<100000x64xbf16, #tpu.memory_space<hbm>>) target(%dma_start3A_54 : memref<128x64xbf16, #tpu.memory_space<vmem>>) offsets(%dma_start3A_57 : memref<128xi32, #tpu.memory_space<vmem>>) semaphore(%arg16 : memref<!tpu.dma_semaphore, #tpu.memory_space<semaphore_mem>>)
    %dma_start3A_61 = arith.constant 1 : i32
    %dma_start3A_62 = arith.constant 128 : i32
    %dma_start3A_63 = tpu.memref_slice %arg13[%dma_start3A_62] : memref<512xf32, #tpu.memory_space<vmem>> -> memref<128xf32, #tpu.memory_space<vmem>>
    %dma_start3A_64 = arith.constant 0 : i32
    %dma_start3A_65 = tpu.memref_slice %arg9[%dma_start3A_61, %dma_start3A_64] : memref<4x128xi32, #tpu.memory_space<vmem>> -> memref<1x128xi32, #tpu.memory_space<vmem>>
    %dma_start3A_66 = tpu.memref_squeeze %dma_start3A_65 : memref<1x128xi32, #tpu.memory_space<vmem>> -> memref<128xi32, #tpu.memory_space<vmem>>
    %dma_start3A_67 = arith.constant 0 : i32
    %dma_start3A_68 = tpu.memref_slice %arg6[%dma_start3A_67] : memref<100000xf32, #tpu.memory_space<hbm>> -> memref<100000xf32, #tpu.memory_space<hbm>>
    tpu.enqueue_indirect_dma source(%dma_start3A_68 : memref<100000xf32, #tpu.memory_space<hbm>>) target(%dma_start3A_63 : memref<128xf32, #tpu.memory_space<vmem>>) offsets(%dma_start3A_66 : memref<128xi32, #tpu.memory_space<vmem>>) semaphore(%arg16 : memref<!tpu.dma_semaphore, #tpu.memory_space<semaphore_mem>>)
    %dma_start3A_69 = arith.constant 1 : i32
    %dma_start3A_70 = arith.constant 128 : i32
    %dma_start3A_71 = tpu.memref_slice %arg14[%dma_start3A_70] : memref<512xf32, #tpu.memory_space<vmem>> -> memref<128xf32, #tpu.memory_space<vmem>>
    %dma_start3A_72 = arith.constant 0 : i32
    %dma_start3A_73 = tpu.memref_slice %arg10[%dma_start3A_69, %dma_start3A_72] : memref<4x128xi32, #tpu.memory_space<vmem>> -> memref<1x128xi32, #tpu.memory_space<vmem>>
    %dma_start3A_74 = tpu.memref_squeeze %dma_start3A_73 : memref<1x128xi32, #tpu.memory_space<vmem>> -> memref<128xi32, #tpu.memory_space<vmem>>
    %dma_start3A_75 = arith.constant 0 : i32
    %dma_start3A_76 = tpu.memref_slice %arg7[%dma_start3A_75] : memref<100000xf32, #tpu.memory_space<hbm>> -> memref<100000xf32, #tpu.memory_space<hbm>>
    tpu.enqueue_indirect_dma source(%dma_start3A_76 : memref<100000xf32, #tpu.memory_space<hbm>>) target(%dma_start3A_71 : memref<128xf32, #tpu.memory_space<vmem>>) offsets(%dma_start3A_74 : memref<128xi32, #tpu.memory_space<vmem>>) semaphore(%arg16 : memref<!tpu.dma_semaphore, #tpu.memory_space<semaphore_mem>>)
    %dma_start3A_77 = arith.constant 2 : i32
    %dma_start3A_78 = arith.constant 256 : i32
    %dma_start3A_79 = arith.constant 0 : i32
    %dma_start3A_80 = tpu.memref_slice %arg11[%dma_start3A_78, %dma_start3A_79] : memref<512x64xbf16, #tpu.memory_space<vmem>> -> memref<128x64xbf16, #tpu.memory_space<vmem>>
    %dma_start3A_81 = arith.constant 0 : i32
    %dma_start3A_82 = tpu.memref_slice %arg9[%dma_start3A_77, %dma_start3A_81] : memref<4x128xi32, #tpu.memory_space<vmem>> -> memref<1x128xi32, #tpu.memory_space<vmem>>
    %dma_start3A_83 = tpu.memref_squeeze %dma_start3A_82 : memref<1x128xi32, #tpu.memory_space<vmem>> -> memref<128xi32, #tpu.memory_space<vmem>>
    %dma_start3A_84 = arith.constant 0 : i32
    %dma_start3A_85 = arith.constant 0 : i32
    %dma_start3A_86 = tpu.memref_slice %arg4[%dma_start3A_84, %dma_start3A_85] : memref<100000x64xbf16, #tpu.memory_space<hbm>> -> memref<100000x64xbf16, #tpu.memory_space<hbm>>
    tpu.enqueue_indirect_dma source(%dma_start3A_86 : memref<100000x64xbf16, #tpu.memory_space<hbm>>) target(%dma_start3A_80 : memref<128x64xbf16, #tpu.memory_space<vmem>>) offsets(%dma_start3A_83 : memref<128xi32, #tpu.memory_space<vmem>>) semaphore(%arg16 : memref<!tpu.dma_semaphore, #tpu.memory_space<semaphore_mem>>)
    %dma_start3A_87 = arith.constant 2 : i32
    %dma_start3A_88 = arith.constant 256 : i32
    %dma_start3A_89 = arith.constant 0 : i32
    %dma_start3A_90 = tpu.memref_slice %arg12[%dma_start3A_88, %dma_start3A_89] : memref<512x64xbf16, #tpu.memory_space<vmem>> -> memref<128x64xbf16, #tpu.memory_space<vmem>>
    %dma_start3A_91 = arith.constant 0 : i32
    %dma_start3A_92 = tpu.memref_slice %arg10[%dma_start3A_87, %dma_start3A_91] : memref<4x128xi32, #tpu.memory_space<vmem>> -> memref<1x128xi32, #tpu.memory_space<vmem>>
    %dma_start3A_93 = tpu.memref_squeeze %dma_start3A_92 : memref<1x128xi32, #tpu.memory_space<vmem>> -> memref<128xi32, #tpu.memory_space<vmem>>
    %dma_start3A_94 = arith.constant 0 : i32
    %dma_start3A_95 = arith.constant 0 : i32
    %dma_start3A_96 = tpu.memref_slice %arg5[%dma_start3A_94, %dma_start3A_95] : memref<100000x64xbf16, #tpu.memory_space<hbm>> -> memref<100000x64xbf16, #tpu.memory_space<hbm>>
    tpu.enqueue_indirect_dma source(%dma_start3A_96 : memref<100000x64xbf16, #tpu.memory_space<hbm>>) target(%dma_start3A_90 : memref<128x64xbf16, #tpu.memory_space<vmem>>) offsets(%dma_start3A_93 : memref<128xi32, #tpu.memory_space<vmem>>) semaphore(%arg16 : memref<!tpu.dma_semaphore, #tpu.memory_space<semaphore_mem>>)
    %dma_start3A_97 = arith.constant 2 : i32
    %dma_start3A_98 = arith.constant 256 : i32
    %dma_start3A_99 = tpu.memref_slice %arg13[%dma_start3A_98] : memref<512xf32, #tpu.memory_space<vmem>> -> memref<128xf32, #tpu.memory_space<vmem>>
    %dma_start3A_100 = arith.constant 0 : i32
    %dma_start3A_101 = tpu.memref_slice %arg9[%dma_start3A_97, %dma_start3A_100] : memref<4x128xi32, #tpu.memory_space<vmem>> -> memref<1x128xi32, #tpu.memory_space<vmem>>
    %dma_start3A_102 = tpu.memref_squeeze %dma_start3A_101 : memref<1x128xi32, #tpu.memory_space<vmem>> -> memref<128xi32, #tpu.memory_space<vmem>>
    %dma_start3A_103 = arith.constant 0 : i32
    %dma_start3A_104 = tpu.memref_slice %arg6[%dma_start3A_103] : memref<100000xf32, #tpu.memory_space<hbm>> -> memref<100000xf32, #tpu.memory_space<hbm>>
    tpu.enqueue_indirect_dma source(%dma_start3A_104 : memref<100000xf32, #tpu.memory_space<hbm>>) target(%dma_start3A_99 : memref<128xf32, #tpu.memory_space<vmem>>) offsets(%dma_start3A_102 : memref<128xi32, #tpu.memory_space<vmem>>) semaphore(%arg16 : memref<!tpu.dma_semaphore, #tpu.memory_space<semaphore_mem>>)
    %dma_start3A_105 = arith.constant 2 : i32
    %dma_start3A_106 = arith.constant 256 : i32
    %dma_start3A_107 = tpu.memref_slice %arg14[%dma_start3A_106] : memref<512xf32, #tpu.memory_space<vmem>> -> memref<128xf32, #tpu.memory_space<vmem>>
    %dma_start3A_108 = arith.constant 0 : i32
    %dma_start3A_109 = tpu.memref_slice %arg10[%dma_start3A_105, %dma_start3A_108] : memref<4x128xi32, #tpu.memory_space<vmem>> -> memref<1x128xi32, #tpu.memory_space<vmem>>
    %dma_start3A_110 = tpu.memref_squeeze %dma_start3A_109 : memref<1x128xi32, #tpu.memory_space<vmem>> -> memref<128xi32, #tpu.memory_space<vmem>>
    %dma_start3A_111 = arith.constant 0 : i32
    %dma_start3A_112 = tpu.memref_slice %arg7[%dma_start3A_111] : memref<100000xf32, #tpu.memory_space<hbm>> -> memref<100000xf32, #tpu.memory_space<hbm>>
    tpu.enqueue_indirect_dma source(%dma_start3A_112 : memref<100000xf32, #tpu.memory_space<hbm>>) target(%dma_start3A_107 : memref<128xf32, #tpu.memory_space<vmem>>) offsets(%dma_start3A_110 : memref<128xi32, #tpu.memory_space<vmem>>) semaphore(%arg16 : memref<!tpu.dma_semaphore, #tpu.memory_space<semaphore_mem>>)
    %dma_start3A_113 = arith.constant 3 : i32
    %dma_start3A_114 = arith.constant 384 : i32
    %dma_start3A_115 = arith.constant 0 : i32
    %dma_start3A_116 = tpu.memref_slice %arg11[%dma_start3A_114, %dma_start3A_115] : memref<512x64xbf16, #tpu.memory_space<vmem>> -> memref<128x64xbf16, #tpu.memory_space<vmem>>
    %dma_start3A_117 = arith.constant 0 : i32
    %dma_start3A_118 = tpu.memref_slice %arg9[%dma_start3A_113, %dma_start3A_117] : memref<4x128xi32, #tpu.memory_space<vmem>> -> memref<1x128xi32, #tpu.memory_space<vmem>>
    %dma_start3A_119 = tpu.memref_squeeze %dma_start3A_118 : memref<1x128xi32, #tpu.memory_space<vmem>> -> memref<128xi32, #tpu.memory_space<vmem>>
    %dma_start3A_120 = arith.constant 0 : i32
    %dma_start3A_121 = arith.constant 0 : i32
    %dma_start3A_122 = tpu.memref_slice %arg4[%dma_start3A_120, %dma_start3A_121] : memref<100000x64xbf16, #tpu.memory_space<hbm>> -> memref<100000x64xbf16, #tpu.memory_space<hbm>>
    tpu.enqueue_indirect_dma source(%dma_start3A_122 : memref<100000x64xbf16, #tpu.memory_space<hbm>>) target(%dma_start3A_116 : memref<128x64xbf16, #tpu.memory_space<vmem>>) offsets(%dma_start3A_119 : memref<128xi32, #tpu.memory_space<vmem>>) semaphore(%arg16 : memref<!tpu.dma_semaphore, #tpu.memory_space<semaphore_mem>>)
    %dma_start3A_123 = arith.constant 3 : i32
    %dma_start3A_124 = arith.constant 384 : i32
    %dma_start3A_125 = arith.constant 0 : i32
    %dma_start3A_126 = tpu.memref_slice %arg12[%dma_start3A_124, %dma_start3A_125] : memref<512x64xbf16, #tpu.memory_space<vmem>> -> memref<128x64xbf16, #tpu.memory_space<vmem>>
    %dma_start3A_127 = arith.constant 0 : i32
    %dma_start3A_128 = tpu.memref_slice %arg10[%dma_start3A_123, %dma_start3A_127] : memref<4x128xi32, #tpu.memory_space<vmem>> -> memref<1x128xi32, #tpu.memory_space<vmem>>
    %dma_start3A_129 = tpu.memref_squeeze %dma_start3A_128 : memref<1x128xi32, #tpu.memory_space<vmem>> -> memref<128xi32, #tpu.memory_space<vmem>>
    %dma_start3A_130 = arith.constant 0 : i32
    %dma_start3A_131 = arith.constant 0 : i32
    %dma_start3A_132 = tpu.memref_slice %arg5[%dma_start3A_130, %dma_start3A_131] : memref<100000x64xbf16, #tpu.memory_space<hbm>> -> memref<100000x64xbf16, #tpu.memory_space<hbm>>
    tpu.enqueue_indirect_dma source(%dma_start3A_132 : memref<100000x64xbf16, #tpu.memory_space<hbm>>) target(%dma_start3A_126 : memref<128x64xbf16, #tpu.memory_space<vmem>>) offsets(%dma_start3A_129 : memref<128xi32, #tpu.memory_space<vmem>>) semaphore(%arg16 : memref<!tpu.dma_semaphore, #tpu.memory_space<semaphore_mem>>)
    %dma_start3A_133 = arith.constant 3 : i32
    %dma_start3A_134 = arith.constant 384 : i32
    %dma_start3A_135 = tpu.memref_slice %arg13[%dma_start3A_134] : memref<512xf32, #tpu.memory_space<vmem>> -> memref<128xf32, #tpu.memory_space<vmem>>
    %dma_start3A_136 = arith.constant 0 : i32
    %dma_start3A_137 = tpu.memref_slice %arg9[%dma_start3A_133, %dma_start3A_136] : memref<4x128xi32, #tpu.memory_space<vmem>> -> memref<1x128xi32, #tpu.memory_space<vmem>>
    %dma_start3A_138 = tpu.memref_squeeze %dma_start3A_137 : memref<1x128xi32, #tpu.memory_space<vmem>> -> memref<128xi32, #tpu.memory_space<vmem>>
    %dma_start3A_139 = arith.constant 0 : i32
    %dma_start3A_140 = tpu.memref_slice %arg6[%dma_start3A_139] : memref<100000xf32, #tpu.memory_space<hbm>> -> memref<100000xf32, #tpu.memory_space<hbm>>
    tpu.enqueue_indirect_dma source(%dma_start3A_140 : memref<100000xf32, #tpu.memory_space<hbm>>) target(%dma_start3A_135 : memref<128xf32, #tpu.memory_space<vmem>>) offsets(%dma_start3A_138 : memref<128xi32, #tpu.memory_space<vmem>>) semaphore(%arg16 : memref<!tpu.dma_semaphore, #tpu.memory_space<semaphore_mem>>)
    %dma_start3A_141 = arith.constant 3 : i32
    %dma_start3A_142 = arith.constant 384 : i32
    %dma_start3A_143 = tpu.memref_slice %arg14[%dma_start3A_142] : memref<512xf32, #tpu.memory_space<vmem>> -> memref<128xf32, #tpu.memory_space<vmem>>
    %dma_start3A_144 = arith.constant 0 : i32
    %dma_start3A_145 = tpu.memref_slice %arg10[%dma_start3A_141, %dma_start3A_144] : memref<4x128xi32, #tpu.memory_space<vmem>> -> memref<1x128xi32, #tpu.memory_space<vmem>>
    %dma_start3A_146 = tpu.memref_squeeze %dma_start3A_145 : memref<1x128xi32, #tpu.memory_space<vmem>> -> memref<128xi32, #tpu.memory_space<vmem>>
    %dma_start3A_147 = arith.constant 0 : i32
    %dma_start3A_148 = tpu.memref_slice %arg7[%dma_start3A_147] : memref<100000xf32, #tpu.memory_space<hbm>> -> memref<100000xf32, #tpu.memory_space<hbm>>
    tpu.enqueue_indirect_dma source(%dma_start3A_148 : memref<100000xf32, #tpu.memory_space<hbm>>) target(%dma_start3A_143 : memref<128xf32, #tpu.memory_space<vmem>>) offsets(%dma_start3A_146 : memref<128xi32, #tpu.memory_space<vmem>>) semaphore(%arg16 : memref<!tpu.dma_semaphore, #tpu.memory_space<semaphore_mem>>)
    %dma_wait3A = arith.constant 0 : i32
    %dma_wait3A_149 = arith.constant 0 : i32
    %dma_wait3A_150 = arith.constant 0 : i32
    %dma_wait3A_151 = tpu.memref_slice %arg11[%dma_wait3A_149, %dma_wait3A_150] : memref<512x64xbf16, #tpu.memory_space<vmem>> -> memref<128x64xbf16, #tpu.memory_space<vmem>>
    %dma_wait3A_152 = arith.constant 0 : i32
    %dma_wait3A_153 = tpu.memref_slice %arg9[%dma_wait3A, %dma_wait3A_152] : memref<4x128xi32, #tpu.memory_space<vmem>> -> memref<1x128xi32, #tpu.memory_space<vmem>>
    %dma_wait3A_154 = tpu.memref_squeeze %dma_wait3A_153 : memref<1x128xi32, #tpu.memory_space<vmem>> -> memref<128xi32, #tpu.memory_space<vmem>>
    %dma_wait3A_155 = arith.constant 0 : i32
    %dma_wait3A_156 = arith.constant 0 : i32
    %dma_wait3A_157 = tpu.memref_slice %arg4[%dma_wait3A_155, %dma_wait3A_156] : memref<100000x64xbf16, #tpu.memory_space<hbm>> -> memref<100000x64xbf16, #tpu.memory_space<hbm>>
    tpu.wait_indirect_dma semaphore(%arg16 : memref<!tpu.dma_semaphore, #tpu.memory_space<semaphore_mem>>) src(%dma_wait3A_157 : memref<100000x64xbf16, #tpu.memory_space<hbm>>) dst(%dma_wait3A_151 : memref<128x64xbf16, #tpu.memory_space<vmem>>)
    %dma_wait3A_158 = arith.constant 0 : i32
    %dma_wait3A_159 = arith.constant 0 : i32
    %dma_wait3A_160 = arith.constant 0 : i32
    %dma_wait3A_161 = tpu.memref_slice %arg12[%dma_wait3A_159, %dma_wait3A_160] : memref<512x64xbf16, #tpu.memory_space<vmem>> -> memref<128x64xbf16, #tpu.memory_space<vmem>>
    %dma_wait3A_162 = arith.constant 0 : i32
    %dma_wait3A_163 = tpu.memref_slice %arg10[%dma_wait3A_158, %dma_wait3A_162] : memref<4x128xi32, #tpu.memory_space<vmem>> -> memref<1x128xi32, #tpu.memory_space<vmem>>
    %dma_wait3A_164 = tpu.memref_squeeze %dma_wait3A_163 : memref<1x128xi32, #tpu.memory_space<vmem>> -> memref<128xi32, #tpu.memory_space<vmem>>
    %dma_wait3A_165 = arith.constant 0 : i32
    %dma_wait3A_166 = arith.constant 0 : i32
    %dma_wait3A_167 = tpu.memref_slice %arg5[%dma_wait3A_165, %dma_wait3A_166] : memref<100000x64xbf16, #tpu.memory_space<hbm>> -> memref<100000x64xbf16, #tpu.memory_space<hbm>>
    tpu.wait_indirect_dma semaphore(%arg16 : memref<!tpu.dma_semaphore, #tpu.memory_space<semaphore_mem>>) src(%dma_wait3A_167 : memref<100000x64xbf16, #tpu.memory_space<hbm>>) dst(%dma_wait3A_161 : memref<128x64xbf16, #tpu.memory_space<vmem>>)
    %dma_wait3A_168 = arith.constant 0 : i32
    %dma_wait3A_169 = arith.constant 0 : i32
    %dma_wait3A_170 = tpu.memref_slice %arg13[%dma_wait3A_169] : memref<512xf32, #tpu.memory_space<vmem>> -> memref<128xf32, #tpu.memory_space<vmem>>
    %dma_wait3A_171 = arith.constant 0 : i32
    %dma_wait3A_172 = tpu.memref_slice %arg9[%dma_wait3A_168, %dma_wait3A_171] : memref<4x128xi32, #tpu.memory_space<vmem>> -> memref<1x128xi32, #tpu.memory_space<vmem>>
    %dma_wait3A_173 = tpu.memref_squeeze %dma_wait3A_172 : memref<1x128xi32, #tpu.memory_space<vmem>> -> memref<128xi32, #tpu.memory_space<vmem>>
    %dma_wait3A_174 = arith.constant 0 : i32
    %dma_wait3A_175 = tpu.memref_slice %arg6[%dma_wait3A_174] : memref<100000xf32, #tpu.memory_space<hbm>> -> memref<100000xf32, #tpu.memory_space<hbm>>
    tpu.wait_indirect_dma semaphore(%arg16 : memref<!tpu.dma_semaphore, #tpu.memory_space<semaphore_mem>>) src(%dma_wait3A_175 : memref<100000xf32, #tpu.memory_space<hbm>>) dst(%dma_wait3A_170 : memref<128xf32, #tpu.memory_space<vmem>>)
    %dma_wait3A_176 = arith.constant 0 : i32
    %dma_wait3A_177 = arith.constant 0 : i32
    %dma_wait3A_178 = tpu.memref_slice %arg14[%dma_wait3A_177] : memref<512xf32, #tpu.memory_space<vmem>> -> memref<128xf32, #tpu.memory_space<vmem>>
    %dma_wait3A_179 = arith.constant 0 : i32
    %dma_wait3A_180 = tpu.memref_slice %arg10[%dma_wait3A_176, %dma_wait3A_179] : memref<4x128xi32, #tpu.memory_space<vmem>> -> memref<1x128xi32, #tpu.memory_space<vmem>>
    %dma_wait3A_181 = tpu.memref_squeeze %dma_wait3A_180 : memref<1x128xi32, #tpu.memory_space<vmem>> -> memref<128xi32, #tpu.memory_space<vmem>>
    %dma_wait3A_182 = arith.constant 0 : i32
    %dma_wait3A_183 = tpu.memref_slice %arg7[%dma_wait3A_182] : memref<100000xf32, #tpu.memory_space<hbm>> -> memref<100000xf32, #tpu.memory_space<hbm>>
    tpu.wait_indirect_dma semaphore(%arg16 : memref<!tpu.dma_semaphore, #tpu.memory_space<semaphore_mem>>) src(%dma_wait3A_183 : memref<100000xf32, #tpu.memory_space<hbm>>) dst(%dma_wait3A_178 : memref<128xf32, #tpu.memory_space<vmem>>)
    %dma_wait3A_184 = arith.constant 1 : i32
    %dma_wait3A_185 = arith.constant 128 : i32
    %dma_wait3A_186 = arith.constant 0 : i32
    %dma_wait3A_187 = tpu.memref_slice %arg11[%dma_wait3A_185, %dma_wait3A_186] : memref<512x64xbf16, #tpu.memory_space<vmem>> -> memref<128x64xbf16, #tpu.memory_space<vmem>>
    %dma_wait3A_188 = arith.constant 0 : i32
    %dma_wait3A_189 = tpu.memref_slice %arg9[%dma_wait3A_184, %dma_wait3A_188] : memref<4x128xi32, #tpu.memory_space<vmem>> -> memref<1x128xi32, #tpu.memory_space<vmem>>
    %dma_wait3A_190 = tpu.memref_squeeze %dma_wait3A_189 : memref<1x128xi32, #tpu.memory_space<vmem>> -> memref<128xi32, #tpu.memory_space<vmem>>
    %dma_wait3A_191 = arith.constant 0 : i32
    %dma_wait3A_192 = arith.constant 0 : i32
    %dma_wait3A_193 = tpu.memref_slice %arg4[%dma_wait3A_191, %dma_wait3A_192] : memref<100000x64xbf16, #tpu.memory_space<hbm>> -> memref<100000x64xbf16, #tpu.memory_space<hbm>>
    tpu.wait_indirect_dma semaphore(%arg16 : memref<!tpu.dma_semaphore, #tpu.memory_space<semaphore_mem>>) src(%dma_wait3A_193 : memref<100000x64xbf16, #tpu.memory_space<hbm>>) dst(%dma_wait3A_187 : memref<128x64xbf16, #tpu.memory_space<vmem>>)
    %dma_wait3A_194 = arith.constant 1 : i32
    %dma_wait3A_195 = arith.constant 128 : i32
    %dma_wait3A_196 = arith.constant 0 : i32
    %dma_wait3A_197 = tpu.memref_slice %arg12[%dma_wait3A_195, %dma_wait3A_196] : memref<512x64xbf16, #tpu.memory_space<vmem>> -> memref<128x64xbf16, #tpu.memory_space<vmem>>
    %dma_wait3A_198 = arith.constant 0 : i32
    %dma_wait3A_199 = tpu.memref_slice %arg10[%dma_wait3A_194, %dma_wait3A_198] : memref<4x128xi32, #tpu.memory_space<vmem>> -> memref<1x128xi32, #tpu.memory_space<vmem>>
    %dma_wait3A_200 = tpu.memref_squeeze %dma_wait3A_199 : memref<1x128xi32, #tpu.memory_space<vmem>> -> memref<128xi32, #tpu.memory_space<vmem>>
    %dma_wait3A_201 = arith.constant 0 : i32
    %dma_wait3A_202 = arith.constant 0 : i32
    %dma_wait3A_203 = tpu.memref_slice %arg5[%dma_wait3A_201, %dma_wait3A_202] : memref<100000x64xbf16, #tpu.memory_space<hbm>> -> memref<100000x64xbf16, #tpu.memory_space<hbm>>
    tpu.wait_indirect_dma semaphore(%arg16 : memref<!tpu.dma_semaphore, #tpu.memory_space<semaphore_mem>>) src(%dma_wait3A_203 : memref<100000x64xbf16, #tpu.memory_space<hbm>>) dst(%dma_wait3A_197 : memref<128x64xbf16, #tpu.memory_space<vmem>>)
    %dma_wait3A_204 = arith.constant 1 : i32
    %dma_wait3A_205 = arith.constant 128 : i32
    %dma_wait3A_206 = tpu.memref_slice %arg13[%dma_wait3A_205] : memref<512xf32, #tpu.memory_space<vmem>> -> memref<128xf32, #tpu.memory_space<vmem>>
    %dma_wait3A_207 = arith.constant 0 : i32
    %dma_wait3A_208 = tpu.memref_slice %arg9[%dma_wait3A_204, %dma_wait3A_207] : memref<4x128xi32, #tpu.memory_space<vmem>> -> memref<1x128xi32, #tpu.memory_space<vmem>>
    %dma_wait3A_209 = tpu.memref_squeeze %dma_wait3A_208 : memref<1x128xi32, #tpu.memory_space<vmem>> -> memref<128xi32, #tpu.memory_space<vmem>>
    %dma_wait3A_210 = arith.constant 0 : i32
    %dma_wait3A_211 = tpu.memref_slice %arg6[%dma_wait3A_210] : memref<100000xf32, #tpu.memory_space<hbm>> -> memref<100000xf32, #tpu.memory_space<hbm>>
    tpu.wait_indirect_dma semaphore(%arg16 : memref<!tpu.dma_semaphore, #tpu.memory_space<semaphore_mem>>) src(%dma_wait3A_211 : memref<100000xf32, #tpu.memory_space<hbm>>) dst(%dma_wait3A_206 : memref<128xf32, #tpu.memory_space<vmem>>)
    %dma_wait3A_212 = arith.constant 1 : i32
    %dma_wait3A_213 = arith.constant 128 : i32
    %dma_wait3A_214 = tpu.memref_slice %arg14[%dma_wait3A_213] : memref<512xf32, #tpu.memory_space<vmem>> -> memref<128xf32, #tpu.memory_space<vmem>>
    %dma_wait3A_215 = arith.constant 0 : i32
    %dma_wait3A_216 = tpu.memref_slice %arg10[%dma_wait3A_212, %dma_wait3A_215] : memref<4x128xi32, #tpu.memory_space<vmem>> -> memref<1x128xi32, #tpu.memory_space<vmem>>
    %dma_wait3A_217 = tpu.memref_squeeze %dma_wait3A_216 : memref<1x128xi32, #tpu.memory_space<vmem>> -> memref<128xi32, #tpu.memory_space<vmem>>
    %dma_wait3A_218 = arith.constant 0 : i32
    %dma_wait3A_219 = tpu.memref_slice %arg7[%dma_wait3A_218] : memref<100000xf32, #tpu.memory_space<hbm>> -> memref<100000xf32, #tpu.memory_space<hbm>>
    tpu.wait_indirect_dma semaphore(%arg16 : memref<!tpu.dma_semaphore, #tpu.memory_space<semaphore_mem>>) src(%dma_wait3A_219 : memref<100000xf32, #tpu.memory_space<hbm>>) dst(%dma_wait3A_214 : memref<128xf32, #tpu.memory_space<vmem>>)
    %dma_wait3A_220 = arith.constant 2 : i32
    %dma_wait3A_221 = arith.constant 256 : i32
    %dma_wait3A_222 = arith.constant 0 : i32
    %dma_wait3A_223 = tpu.memref_slice %arg11[%dma_wait3A_221, %dma_wait3A_222] : memref<512x64xbf16, #tpu.memory_space<vmem>> -> memref<128x64xbf16, #tpu.memory_space<vmem>>
    %dma_wait3A_224 = arith.constant 0 : i32
    %dma_wait3A_225 = tpu.memref_slice %arg9[%dma_wait3A_220, %dma_wait3A_224] : memref<4x128xi32, #tpu.memory_space<vmem>> -> memref<1x128xi32, #tpu.memory_space<vmem>>
    %dma_wait3A_226 = tpu.memref_squeeze %dma_wait3A_225 : memref<1x128xi32, #tpu.memory_space<vmem>> -> memref<128xi32, #tpu.memory_space<vmem>>
    %dma_wait3A_227 = arith.constant 0 : i32
    %dma_wait3A_228 = arith.constant 0 : i32
    %dma_wait3A_229 = tpu.memref_slice %arg4[%dma_wait3A_227, %dma_wait3A_228] : memref<100000x64xbf16, #tpu.memory_space<hbm>> -> memref<100000x64xbf16, #tpu.memory_space<hbm>>
    tpu.wait_indirect_dma semaphore(%arg16 : memref<!tpu.dma_semaphore, #tpu.memory_space<semaphore_mem>>) src(%dma_wait3A_229 : memref<100000x64xbf16, #tpu.memory_space<hbm>>) dst(%dma_wait3A_223 : memref<128x64xbf16, #tpu.memory_space<vmem>>)
    %dma_wait3A_230 = arith.constant 2 : i32
    %dma_wait3A_231 = arith.constant 256 : i32
    %dma_wait3A_232 = arith.constant 0 : i32
    %dma_wait3A_233 = tpu.memref_slice %arg12[%dma_wait3A_231, %dma_wait3A_232] : memref<512x64xbf16, #tpu.memory_space<vmem>> -> memref<128x64xbf16, #tpu.memory_space<vmem>>
    %dma_wait3A_234 = arith.constant 0 : i32
    %dma_wait3A_235 = tpu.memref_slice %arg10[%dma_wait3A_230, %dma_wait3A_234] : memref<4x128xi32, #tpu.memory_space<vmem>> -> memref<1x128xi32, #tpu.memory_space<vmem>>
    %dma_wait3A_236 = tpu.memref_squeeze %dma_wait3A_235 : memref<1x128xi32, #tpu.memory_space<vmem>> -> memref<128xi32, #tpu.memory_space<vmem>>
    %dma_wait3A_237 = arith.constant 0 : i32
    %dma_wait3A_238 = arith.constant 0 : i32
    %dma_wait3A_239 = tpu.memref_slice %arg5[%dma_wait3A_237, %dma_wait3A_238] : memref<100000x64xbf16, #tpu.memory_space<hbm>> -> memref<100000x64xbf16, #tpu.memory_space<hbm>>
    tpu.wait_indirect_dma semaphore(%arg16 : memref<!tpu.dma_semaphore, #tpu.memory_space<semaphore_mem>>) src(%dma_wait3A_239 : memref<100000x64xbf16, #tpu.memory_space<hbm>>) dst(%dma_wait3A_233 : memref<128x64xbf16, #tpu.memory_space<vmem>>)
    %dma_wait3A_240 = arith.constant 2 : i32
    %dma_wait3A_241 = arith.constant 256 : i32
    %dma_wait3A_242 = tpu.memref_slice %arg13[%dma_wait3A_241] : memref<512xf32, #tpu.memory_space<vmem>> -> memref<128xf32, #tpu.memory_space<vmem>>
    %dma_wait3A_243 = arith.constant 0 : i32
    %dma_wait3A_244 = tpu.memref_slice %arg9[%dma_wait3A_240, %dma_wait3A_243] : memref<4x128xi32, #tpu.memory_space<vmem>> -> memref<1x128xi32, #tpu.memory_space<vmem>>
    %dma_wait3A_245 = tpu.memref_squeeze %dma_wait3A_244 : memref<1x128xi32, #tpu.memory_space<vmem>> -> memref<128xi32, #tpu.memory_space<vmem>>
    %dma_wait3A_246 = arith.constant 0 : i32
    %dma_wait3A_247 = tpu.memref_slice %arg6[%dma_wait3A_246] : memref<100000xf32, #tpu.memory_space<hbm>> -> memref<100000xf32, #tpu.memory_space<hbm>>
    tpu.wait_indirect_dma semaphore(%arg16 : memref<!tpu.dma_semaphore, #tpu.memory_space<semaphore_mem>>) src(%dma_wait3A_247 : memref<100000xf32, #tpu.memory_space<hbm>>) dst(%dma_wait3A_242 : memref<128xf32, #tpu.memory_space<vmem>>)
    %dma_wait3A_248 = arith.constant 2 : i32
    %dma_wait3A_249 = arith.constant 256 : i32
    %dma_wait3A_250 = tpu.memref_slice %arg14[%dma_wait3A_249] : memref<512xf32, #tpu.memory_space<vmem>> -> memref<128xf32, #tpu.memory_space<vmem>>
    %dma_wait3A_251 = arith.constant 0 : i32
    %dma_wait3A_252 = tpu.memref_slice %arg10[%dma_wait3A_248, %dma_wait3A_251] : memref<4x128xi32, #tpu.memory_space<vmem>> -> memref<1x128xi32, #tpu.memory_space<vmem>>
    %dma_wait3A_253 = tpu.memref_squeeze %dma_wait3A_252 : memref<1x128xi32, #tpu.memory_space<vmem>> -> memref<128xi32, #tpu.memory_space<vmem>>
    %dma_wait3A_254 = arith.constant 0 : i32
    %dma_wait3A_255 = tpu.memref_slice %arg7[%dma_wait3A_254] : memref<100000xf32, #tpu.memory_space<hbm>> -> memref<100000xf32, #tpu.memory_space<hbm>>
    tpu.wait_indirect_dma semaphore(%arg16 : memref<!tpu.dma_semaphore, #tpu.memory_space<semaphore_mem>>) src(%dma_wait3A_255 : memref<100000xf32, #tpu.memory_space<hbm>>) dst(%dma_wait3A_250 : memref<128xf32, #tpu.memory_space<vmem>>)
    %dma_wait3A_256 = arith.constant 3 : i32
    %dma_wait3A_257 = arith.constant 384 : i32
    %dma_wait3A_258 = arith.constant 0 : i32
    %dma_wait3A_259 = tpu.memref_slice %arg11[%dma_wait3A_257, %dma_wait3A_258] : memref<512x64xbf16, #tpu.memory_space<vmem>> -> memref<128x64xbf16, #tpu.memory_space<vmem>>
    %dma_wait3A_260 = arith.constant 0 : i32
    %dma_wait3A_261 = tpu.memref_slice %arg9[%dma_wait3A_256, %dma_wait3A_260] : memref<4x128xi32, #tpu.memory_space<vmem>> -> memref<1x128xi32, #tpu.memory_space<vmem>>
    %dma_wait3A_262 = tpu.memref_squeeze %dma_wait3A_261 : memref<1x128xi32, #tpu.memory_space<vmem>> -> memref<128xi32, #tpu.memory_space<vmem>>
    %dma_wait3A_263 = arith.constant 0 : i32
    %dma_wait3A_264 = arith.constant 0 : i32
    %dma_wait3A_265 = tpu.memref_slice %arg4[%dma_wait3A_263, %dma_wait3A_264] : memref<100000x64xbf16, #tpu.memory_space<hbm>> -> memref<100000x64xbf16, #tpu.memory_space<hbm>>
    tpu.wait_indirect_dma semaphore(%arg16 : memref<!tpu.dma_semaphore, #tpu.memory_space<semaphore_mem>>) src(%dma_wait3A_265 : memref<100000x64xbf16, #tpu.memory_space<hbm>>) dst(%dma_wait3A_259 : memref<128x64xbf16, #tpu.memory_space<vmem>>)
    %dma_wait3A_266 = arith.constant 3 : i32
    %dma_wait3A_267 = arith.constant 384 : i32
    %dma_wait3A_268 = arith.constant 0 : i32
    %dma_wait3A_269 = tpu.memref_slice %arg12[%dma_wait3A_267, %dma_wait3A_268] : memref<512x64xbf16, #tpu.memory_space<vmem>> -> memref<128x64xbf16, #tpu.memory_space<vmem>>
    %dma_wait3A_270 = arith.constant 0 : i32
    %dma_wait3A_271 = tpu.memref_slice %arg10[%dma_wait3A_266, %dma_wait3A_270] : memref<4x128xi32, #tpu.memory_space<vmem>> -> memref<1x128xi32, #tpu.memory_space<vmem>>
    %dma_wait3A_272 = tpu.memref_squeeze %dma_wait3A_271 : memref<1x128xi32, #tpu.memory_space<vmem>> -> memref<128xi32, #tpu.memory_space<vmem>>
    %dma_wait3A_273 = arith.constant 0 : i32
    %dma_wait3A_274 = arith.constant 0 : i32
    %dma_wait3A_275 = tpu.memref_slice %arg5[%dma_wait3A_273, %dma_wait3A_274] : memref<100000x64xbf16, #tpu.memory_space<hbm>> -> memref<100000x64xbf16, #tpu.memory_space<hbm>>
    tpu.wait_indirect_dma semaphore(%arg16 : memref<!tpu.dma_semaphore, #tpu.memory_space<semaphore_mem>>) src(%dma_wait3A_275 : memref<100000x64xbf16, #tpu.memory_space<hbm>>) dst(%dma_wait3A_269 : memref<128x64xbf16, #tpu.memory_space<vmem>>)
    %dma_wait3A_276 = arith.constant 3 : i32
    %dma_wait3A_277 = arith.constant 384 : i32
    %dma_wait3A_278 = tpu.memref_slice %arg13[%dma_wait3A_277] : memref<512xf32, #tpu.memory_space<vmem>> -> memref<128xf32, #tpu.memory_space<vmem>>
    %dma_wait3A_279 = arith.constant 0 : i32
    %dma_wait3A_280 = tpu.memref_slice %arg9[%dma_wait3A_276, %dma_wait3A_279] : memref<4x128xi32, #tpu.memory_space<vmem>> -> memref<1x128xi32, #tpu.memory_space<vmem>>
    %dma_wait3A_281 = tpu.memref_squeeze %dma_wait3A_280 : memref<1x128xi32, #tpu.memory_space<vmem>> -> memref<128xi32, #tpu.memory_space<vmem>>
    %dma_wait3A_282 = arith.constant 0 : i32
    %dma_wait3A_283 = tpu.memref_slice %arg6[%dma_wait3A_282] : memref<100000xf32, #tpu.memory_space<hbm>> -> memref<100000xf32, #tpu.memory_space<hbm>>
    tpu.wait_indirect_dma semaphore(%arg16 : memref<!tpu.dma_semaphore, #tpu.memory_space<semaphore_mem>>) src(%dma_wait3A_283 : memref<100000xf32, #tpu.memory_space<hbm>>) dst(%dma_wait3A_278 : memref<128xf32, #tpu.memory_space<vmem>>)
    %dma_wait3A_284 = arith.constant 3 : i32
    %dma_wait3A_285 = arith.constant 384 : i32
    %dma_wait3A_286 = tpu.memref_slice %arg14[%dma_wait3A_285] : memref<512xf32, #tpu.memory_space<vmem>> -> memref<128xf32, #tpu.memory_space<vmem>>
    %dma_wait3A_287 = arith.constant 0 : i32
    %dma_wait3A_288 = tpu.memref_slice %arg10[%dma_wait3A_284, %dma_wait3A_287] : memref<4x128xi32, #tpu.memory_space<vmem>> -> memref<1x128xi32, #tpu.memory_space<vmem>>
    %dma_wait3A_289 = tpu.memref_squeeze %dma_wait3A_288 : memref<1x128xi32, #tpu.memory_space<vmem>> -> memref<128xi32, #tpu.memory_space<vmem>>
    %dma_wait3A_290 = arith.constant 0 : i32
    %dma_wait3A_291 = tpu.memref_slice %arg7[%dma_wait3A_290] : memref<100000xf32, #tpu.memory_space<hbm>> -> memref<100000xf32, #tpu.memory_space<hbm>>
    tpu.wait_indirect_dma semaphore(%arg16 : memref<!tpu.dma_semaphore, #tpu.memory_space<semaphore_mem>>) src(%dma_wait3A_291 : memref<100000xf32, #tpu.memory_space<hbm>>) dst(%dma_wait3A_286 : memref<128xf32, #tpu.memory_space<vmem>>)
    %iota3A = tpu.iota {dimensions = array<i32: 0>} : vector<16xi32>
    %eq3A = arith.constant 15 : i32
    %eq3A_292 = vector.broadcast %eq3A : i32 to vector<16xi32>
    %eq3A_293 = arith.cmpi eq, %iota3A, %eq3A_292 : vector<16xi32>
    %scan3A = arith.constant 0 : i32
    %scan3A_294 = arith.constant 0 : i32
    %scan3A_295 = arith.constant 32 : i32
    %scan3A_296 = arith.addi %scan3A_294, %scan3A_295 : i32
    %scan3A_297 = arith.constant 1 : i32
    scf.for %scan3A_617 = %scan3A_294 to %scan3A_296 step %scan3A_297  : i32 {
      %mul3A_618 = arith.constant 16 : i32
      %mul3A_619 = arith.muli %scan3A_617, %mul3A_618 : i32
      %multiple_of3A_620 = tpu.assume_multiple %mul3A_619, 16 : i32
      %add3A_621 = arith.constant 0 : i32
      %add3A_622 = arith.addi %multiple_of3A_620, %add3A_621 : i32
      %get3A_623 = arith.index_cast %add3A_622 : i32 to index
      %get3A_624 = arith.constant 0 : index
      %get3A_625 = tpu.vector_load %arg11[%get3A_623, %get3A_624] {strides = array<i32>} : memref<512x64xbf16, #tpu.memory_space<vmem>>, vector<32xbf16>,
      %unpack3A = tpu.unpack_subelements %get3A_625, 0 {pack_format = #tpu.pack_format<interleaved>} : vector<32xbf16> -> vector<16xf32>
      %unpack3A_626 = tpu.unpack_subelements %get3A_625, 1 {pack_format = #tpu.pack_format<interleaved>} : vector<32xbf16> -> vector<16xf32>
      %get3A_627 = arith.index_cast %add3A_622 : i32 to index
      %get3A_628 = arith.constant 0 : index
      %get3A_629 = tpu.vector_load %arg12[%get3A_627, %get3A_628] {strides = array<i32>} : memref<512x64xbf16, #tpu.memory_space<vmem>>, vector<32xbf16>,
      %unpack3A_630 = tpu.unpack_subelements %get3A_629, 0 {pack_format = #tpu.pack_format<interleaved>} : vector<32xbf16> -> vector<16xf32>
      %unpack3A_631 = tpu.unpack_subelements %get3A_629, 1 {pack_format = #tpu.pack_format<interleaved>} : vector<32xbf16> -> vector<16xf32>
      %mul3A_632 = arith.mulf %unpack3A, %unpack3A_630 : vector<16xf32>
      %mul3A_633 = arith.mulf %unpack3A_626, %unpack3A_631 : vector<16xf32>
      %add3A_634 = arith.addf %mul3A_632, %mul3A_633 : vector<16xf32>
      %get3A_635 = arith.index_cast %add3A_622 : i32 to index
      %get3A_636 = arith.constant 32 : index
      %get3A_637 = tpu.vector_load %arg11[%get3A_635, %get3A_636] {strides = array<i32>} : memref<512x64xbf16, #tpu.memory_space<vmem>>, vector<32xbf16>,
      %unpack3A_638 = tpu.unpack_subelements %get3A_637, 0 {pack_format = #tpu.pack_format<interleaved>} : vector<32xbf16> -> vector<16xf32>
      %unpack3A_639 = tpu.unpack_subelements %get3A_637, 1 {pack_format = #tpu.pack_format<interleaved>} : vector<32xbf16> -> vector<16xf32>
      %get3A_640 = arith.index_cast %add3A_622 : i32 to index
      %get3A_641 = arith.constant 32 : index
      %get3A_642 = tpu.vector_load %arg12[%get3A_640, %get3A_641] {strides = array<i32>} : memref<512x64xbf16, #tpu.memory_space<vmem>>, vector<32xbf16>,
      %unpack3A_643 = tpu.unpack_subelements %get3A_642, 0 {pack_format = #tpu.pack_format<interleaved>} : vector<32xbf16> -> vector<16xf32>
      %unpack3A_644 = tpu.unpack_subelements %get3A_642, 1 {pack_format = #tpu.pack_format<interleaved>} : vector<32xbf16> -> vector<16xf32>
      %mul3A_645 = arith.mulf %unpack3A_638, %unpack3A_643 : vector<16xf32>
      %add3A_646 = arith.addf %add3A_634, %mul3A_645 : vector<16xf32>
      %mul3A_647 = arith.mulf %unpack3A_639, %unpack3A_644 : vector<16xf32>
      %add3A_648 = arith.addf %add3A_646, %mul3A_647 : vector<16xf32>
      %broadcast_in_dim3A = arith.constant true
      %broadcast_in_dim3A_649 = vector.broadcast %broadcast_in_dim3A : i1 to vector<16xi1>
      %masked_cumsum3A = tpu.scan <sum>, %add3A_648 masked %broadcast_in_dim3A_649 : vector<16xf32>, vector<16xi1> -> vector<16xf32>
      %broadcast_in_dim3A_650 = vector.broadcast %add3A_622 : i32 to vector<16xi32>
      tpu.vector_store_idx %arg15[%broadcast_in_dim3A_650], %masked_cumsum3A masked %eq3A_293 : memref<512xf32, #tpu.memory_space<vmem>>[vector<16xi32>], vector<16xf32>, vector<16xi1>
      %add3A_651 = arith.constant 1 : i32
      %add3A_652 = arith.addi %multiple_of3A_620, %add3A_651 : i32
      %get3A_653 = arith.index_cast %add3A_652 : i32 to index
      %get3A_654 = arith.constant 0 : index
      %get3A_655 = tpu.vector_load %arg11[%get3A_653, %get3A_654] {strides = array<i32>} : memref<512x64xbf16, #tpu.memory_space<vmem>>, vector<32xbf16>,
      %unpack3A_656 = tpu.unpack_subelements %get3A_655, 0 {pack_format = #tpu.pack_format<interleaved>} : vector<32xbf16> -> vector<16xf32>
      %unpack3A_657 = tpu.unpack_subelements %get3A_655, 1 {pack_format = #tpu.pack_format<interleaved>} : vector<32xbf16> -> vector<16xf32>
      %get3A_658 = arith.index_cast %add3A_652 : i32 to index
      %get3A_659 = arith.constant 0 : index
      %get3A_660 = tpu.vector_load %arg12[%get3A_658, %get3A_659] {strides = array<i32>} : memref<512x64xbf16, #tpu.memory_space<vmem>>, vector<32xbf16>,
      %unpack3A_661 = tpu.unpack_subelements %get3A_660, 0 {pack_format = #tpu.pack_format<interleaved>} : vector<32xbf16> -> vector<16xf32>
      %unpack3A_662 = tpu.unpack_subelements %get3A_660, 1 {pack_format = #tpu.pack_format<interleaved>} : vector<32xbf16> -> vector<16xf32>
      %mul3A_663 = arith.mulf %unpack3A_656, %unpack3A_661 : vector<16xf32>
      %mul3A_664 = arith.mulf %unpack3A_657, %unpack3A_662 : vector<16xf32>
      %add3A_665 = arith.addf %mul3A_663, %mul3A_664 : vector<16xf32>
      %get3A_666 = arith.index_cast %add3A_652 : i32 to index
      %get3A_667 = arith.constant 32 : index
      %get3A_668 = tpu.vector_load %arg11[%get3A_666, %get3A_667] {strides = array<i32>} : memref<512x64xbf16, #tpu.memory_space<vmem>>, vector<32xbf16>,
      %unpack3A_669 = tpu.unpack_subelements %get3A_668, 0 {pack_format = #tpu.pack_format<interleaved>} : vector<32xbf16> -> vector<16xf32>
      %unpack3A_670 = tpu.unpack_subelements %get3A_668, 1 {pack_format = #tpu.pack_format<interleaved>} : vector<32xbf16> -> vector<16xf32>
      %get3A_671 = arith.index_cast %add3A_652 : i32 to index
      %get3A_672 = arith.constant 32 : index
      %get3A_673 = tpu.vector_load %arg12[%get3A_671, %get3A_672] {strides = array<i32>} : memref<512x64xbf16, #tpu.memory_space<vmem>>, vector<32xbf16>,
      %unpack3A_674 = tpu.unpack_subelements %get3A_673, 0 {pack_format = #tpu.pack_format<interleaved>} : vector<32xbf16> -> vector<16xf32>
      %unpack3A_675 = tpu.unpack_subelements %get3A_673, 1 {pack_format = #tpu.pack_format<interleaved>} : vector<32xbf16> -> vector<16xf32>
      %mul3A_676 = arith.mulf %unpack3A_669, %unpack3A_674 : vector<16xf32>
      %add3A_677 = arith.addf %add3A_665, %mul3A_676 : vector<16xf32>
      %mul3A_678 = arith.mulf %unpack3A_670, %unpack3A_675 : vector<16xf32>
      %add3A_679 = arith.addf %add3A_677, %mul3A_678 : vector<16xf32>
      %broadcast_in_dim3A_680 = arith.constant true
      %broadcast_in_dim3A_681 = vector.broadcast %broadcast_in_dim3A_680 : i1 to vector<16xi1>
      %masked_cumsum3A_682 = tpu.scan <sum>, %add3A_679 masked %broadcast_in_dim3A_681 : vector<16xf32>, vector<16xi1> -> vector<16xf32>
      %broadcast_in_dim3A_683 = vector.broadcast %add3A_652 : i32 to vector<16xi32>
      tpu.vector_store_idx %arg15[%broadcast_in_dim3A_683], %masked_cumsum3A_682 masked %eq3A_293 : memref<512xf32, #tpu.memory_space<vmem>>[vector<16xi32>], vector<16xf32>, vector<16xi1>
      %add3A_684 = arith.constant 2 : i32
      %add3A_685 = arith.addi %multiple_of3A_620, %add3A_684 : i32
      %get3A_686 = arith.index_cast %add3A_685 : i32 to index
      %get3A_687 = arith.constant 0 : index
      %get3A_688 = tpu.vector_load %arg11[%get3A_686, %get3A_687] {strides = array<i32>} : memref<512x64xbf16, #tpu.memory_space<vmem>>, vector<32xbf16>,
      %unpack3A_689 = tpu.unpack_subelements %get3A_688, 0 {pack_format = #tpu.pack_format<interleaved>} : vector<32xbf16> -> vector<16xf32>
      %unpack3A_690 = tpu.unpack_subelements %get3A_688, 1 {pack_format = #tpu.pack_format<interleaved>} : vector<32xbf16> -> vector<16xf32>
      %get3A_691 = arith.index_cast %add3A_685 : i32 to index
      %get3A_692 = arith.constant 0 : index
      %get3A_693 = tpu.vector_load %arg12[%get3A_691, %get3A_692] {strides = array<i32>} : memref<512x64xbf16, #tpu.memory_space<vmem>>, vector<32xbf16>,
      %unpack3A_694 = tpu.unpack_subelements %get3A_693, 0 {pack_format = #tpu.pack_format<interleaved>} : vector<32xbf16> -> vector<16xf32>
      %unpack3A_695 = tpu.unpack_subelements %get3A_693, 1 {pack_format = #tpu.pack_format<interleaved>} : vector<32xbf16> -> vector<16xf32>
      %mul3A_696 = arith.mulf %unpack3A_689, %unpack3A_694 : vector<16xf32>
      %mul3A_697 = arith.mulf %unpack3A_690, %unpack3A_695 : vector<16xf32>
      %add3A_698 = arith.addf %mul3A_696, %mul3A_697 : vector<16xf32>
      %get3A_699 = arith.index_cast %add3A_685 : i32 to index
      %get3A_700 = arith.constant 32 : index
      %get3A_701 = tpu.vector_load %arg11[%get3A_699, %get3A_700] {strides = array<i32>} : memref<512x64xbf16, #tpu.memory_space<vmem>>, vector<32xbf16>,
      %unpack3A_702 = tpu.unpack_subelements %get3A_701, 0 {pack_format = #tpu.pack_format<interleaved>} : vector<32xbf16> -> vector<16xf32>
      %unpack3A_703 = tpu.unpack_subelements %get3A_701, 1 {pack_format = #tpu.pack_format<interleaved>} : vector<32xbf16> -> vector<16xf32>
      %get3A_704 = arith.index_cast %add3A_685 : i32 to index
      %get3A_705 = arith.constant 32 : index
      %get3A_706 = tpu.vector_load %arg12[%get3A_704, %get3A_705] {strides = array<i32>} : memref<512x64xbf16, #tpu.memory_space<vmem>>, vector<32xbf16>,
      %unpack3A_707 = tpu.unpack_subelements %get3A_706, 0 {pack_format = #tpu.pack_format<interleaved>} : vector<32xbf16> -> vector<16xf32>
      %unpack3A_708 = tpu.unpack_subelements %get3A_706, 1 {pack_format = #tpu.pack_format<interleaved>} : vector<32xbf16> -> vector<16xf32>
      %mul3A_709 = arith.mulf %unpack3A_702, %unpack3A_707 : vector<16xf32>
      %add3A_710 = arith.addf %add3A_698, %mul3A_709 : vector<16xf32>
      %mul3A_711 = arith.mulf %unpack3A_703, %unpack3A_708 : vector<16xf32>
      %add3A_712 = arith.addf %add3A_710, %mul3A_711 : vector<16xf32>
      %broadcast_in_dim3A_713 = arith.constant true
      %broadcast_in_dim3A_714 = vector.broadcast %broadcast_in_dim3A_713 : i1 to vector<16xi1>
      %masked_cumsum3A_715 = tpu.scan <sum>, %add3A_712 masked %broadcast_in_dim3A_714 : vector<16xf32>, vector<16xi1> -> vector<16xf32>
      %broadcast_in_dim3A_716 = vector.broadcast %add3A_685 : i32 to vector<16xi32>
      tpu.vector_store_idx %arg15[%broadcast_in_dim3A_716], %masked_cumsum3A_715 masked %eq3A_293 : memref<512xf32, #tpu.memory_space<vmem>>[vector<16xi32>], vector<16xf32>, vector<16xi1>
      %add3A_717 = arith.constant 3 : i32
      %add3A_718 = arith.addi %multiple_of3A_620, %add3A_717 : i32
      %get3A_719 = arith.index_cast %add3A_718 : i32 to index
      %get3A_720 = arith.constant 0 : index
      %get3A_721 = tpu.vector_load %arg11[%get3A_719, %get3A_720] {strides = array<i32>} : memref<512x64xbf16, #tpu.memory_space<vmem>>, vector<32xbf16>,
      %unpack3A_722 = tpu.unpack_subelements %get3A_721, 0 {pack_format = #tpu.pack_format<interleaved>} : vector<32xbf16> -> vector<16xf32>
      %unpack3A_723 = tpu.unpack_subelements %get3A_721, 1 {pack_format = #tpu.pack_format<interleaved>} : vector<32xbf16> -> vector<16xf32>
      %get3A_724 = arith.index_cast %add3A_718 : i32 to index
      %get3A_725 = arith.constant 0 : index
      %get3A_726 = tpu.vector_load %arg12[%get3A_724, %get3A_725] {strides = array<i32>} : memref<512x64xbf16, #tpu.memory_space<vmem>>, vector<32xbf16>,
      %unpack3A_727 = tpu.unpack_subelements %get3A_726, 0 {pack_format = #tpu.pack_format<interleaved>} : vector<32xbf16> -> vector<16xf32>
      %unpack3A_728 = tpu.unpack_subelements %get3A_726, 1 {pack_format = #tpu.pack_format<interleaved>} : vector<32xbf16> -> vector<16xf32>
      %mul3A_729 = arith.mulf %unpack3A_722, %unpack3A_727 : vector<16xf32>
      %mul3A_730 = arith.mulf %unpack3A_723, %unpack3A_728 : vector<16xf32>
      %add3A_731 = arith.addf %mul3A_729, %mul3A_730 : vector<16xf32>
      %get3A_732 = arith.index_cast %add3A_718 : i32 to index
      %get3A_733 = arith.constant 32 : index
      %get3A_734 = tpu.vector_load %arg11[%get3A_732, %get3A_733] {strides = array<i32>} : memref<512x64xbf16, #tpu.memory_space<vmem>>, vector<32xbf16>,
      %unpack3A_735 = tpu.unpack_subelements %get3A_734, 0 {pack_format = #tpu.pack_format<interleaved>} : vector<32xbf16> -> vector<16xf32>
      %unpack3A_736 = tpu.unpack_subelements %get3A_734, 1 {pack_format = #tpu.pack_format<interleaved>} : vector<32xbf16> -> vector<16xf32>
      %get3A_737 = arith.index_cast %add3A_718 : i32 to index
      %get3A_738 = arith.constant 32 : index
      %get3A_739 = tpu.vector_load %arg12[%get3A_737, %get3A_738] {strides = array<i32>} : memref<512x64xbf16, #tpu.memory_space<vmem>>, vector<32xbf16>,
      %unpack3A_740 = tpu.unpack_subelements %get3A_739, 0 {pack_format = #tpu.pack_format<interleaved>} : vector<32xbf16> -> vector<16xf32>
      %unpack3A_741 = tpu.unpack_subelements %get3A_739, 1 {pack_format = #tpu.pack_format<interleaved>} : vector<32xbf16> -> vector<16xf32>
      %mul3A_742 = arith.mulf %unpack3A_735, %unpack3A_740 : vector<16xf32>
      %add3A_743 = arith.addf %add3A_731, %mul3A_742 : vector<16xf32>
      %mul3A_744 = arith.mulf %unpack3A_736, %unpack3A_741 : vector<16xf32>
      %add3A_745 = arith.addf %add3A_743, %mul3A_744 : vector<16xf32>
      %broadcast_in_dim3A_746 = arith.constant true
      %broadcast_in_dim3A_747 = vector.broadcast %broadcast_in_dim3A_746 : i1 to vector<16xi1>
      %masked_cumsum3A_748 = tpu.scan <sum>, %add3A_745 masked %broadcast_in_dim3A_747 : vector<16xf32>, vector<16xi1> -> vector<16xf32>
      %broadcast_in_dim3A_749 = vector.broadcast %add3A_718 : i32 to vector<16xi32>
      tpu.vector_store_idx %arg15[%broadcast_in_dim3A_749], %masked_cumsum3A_748 masked %eq3A_293 : memref<512xf32, #tpu.memory_space<vmem>>[vector<16xi32>], vector<16xf32>, vector<16xi1>
      %add3A_750 = arith.constant 4 : i32
      %add3A_751 = arith.addi %multiple_of3A_620, %add3A_750 : i32
      %get3A_752 = arith.index_cast %add3A_751 : i32 to index
      %get3A_753 = arith.constant 0 : index
      %get3A_754 = tpu.vector_load %arg11[%get3A_752, %get3A_753] {strides = array<i32>} : memref<512x64xbf16, #tpu.memory_space<vmem>>, vector<32xbf16>,
      %unpack3A_755 = tpu.unpack_subelements %get3A_754, 0 {pack_format = #tpu.pack_format<interleaved>} : vector<32xbf16> -> vector<16xf32>
      %unpack3A_756 = tpu.unpack_subelements %get3A_754, 1 {pack_format = #tpu.pack_format<interleaved>} : vector<32xbf16> -> vector<16xf32>
      %get3A_757 = arith.index_cast %add3A_751 : i32 to index
      %get3A_758 = arith.constant 0 : index
      %get3A_759 = tpu.vector_load %arg12[%get3A_757, %get3A_758] {strides = array<i32>} : memref<512x64xbf16, #tpu.memory_space<vmem>>, vector<32xbf16>,
      %unpack3A_760 = tpu.unpack_subelements %get3A_759, 0 {pack_format = #tpu.pack_format<interleaved>} : vector<32xbf16> -> vector<16xf32>
      %unpack3A_761 = tpu.unpack_subelements %get3A_759, 1 {pack_format = #tpu.pack_format<interleaved>} : vector<32xbf16> -> vector<16xf32>
      %mul3A_762 = arith.mulf %unpack3A_755, %unpack3A_760 : vector<16xf32>
      %mul3A_763 = arith.mulf %unpack3A_756, %unpack3A_761 : vector<16xf32>
      %add3A_764 = arith.addf %mul3A_762, %mul3A_763 : vector<16xf32>
      %get3A_765 = arith.index_cast %add3A_751 : i32 to index
      %get3A_766 = arith.constant 32 : index
      %get3A_767 = tpu.vector_load %arg11[%get3A_765, %get3A_766] {strides = array<i32>} : memref<512x64xbf16, #tpu.memory_space<vmem>>, vector<32xbf16>,
      %unpack3A_768 = tpu.unpack_subelements %get3A_767, 0 {pack_format = #tpu.pack_format<interleaved>} : vector<32xbf16> -> vector<16xf32>
      %unpack3A_769 = tpu.unpack_subelements %get3A_767, 1 {pack_format = #tpu.pack_format<interleaved>} : vector<32xbf16> -> vector<16xf32>
      %get3A_770 = arith.index_cast %add3A_751 : i32 to index
      %get3A_771 = arith.constant 32 : index
      %get3A_772 = tpu.vector_load %arg12[%get3A_770, %get3A_771] {strides = array<i32>} : memref<512x64xbf16, #tpu.memory_space<vmem>>, vector<32xbf16>,
      %unpack3A_773 = tpu.unpack_subelements %get3A_772, 0 {pack_format = #tpu.pack_format<interleaved>} : vector<32xbf16> -> vector<16xf32>
      %unpack3A_774 = tpu.unpack_subelements %get3A_772, 1 {pack_format = #tpu.pack_format<interleaved>} : vector<32xbf16> -> vector<16xf32>
      %mul3A_775 = arith.mulf %unpack3A_768, %unpack3A_773 : vector<16xf32>
      %add3A_776 = arith.addf %add3A_764, %mul3A_775 : vector<16xf32>
      %mul3A_777 = arith.mulf %unpack3A_769, %unpack3A_774 : vector<16xf32>
      %add3A_778 = arith.addf %add3A_776, %mul3A_777 : vector<16xf32>
      %broadcast_in_dim3A_779 = arith.constant true
      %broadcast_in_dim3A_780 = vector.broadcast %broadcast_in_dim3A_779 : i1 to vector<16xi1>
      %masked_cumsum3A_781 = tpu.scan <sum>, %add3A_778 masked %broadcast_in_dim3A_780 : vector<16xf32>, vector<16xi1> -> vector<16xf32>
      %broadcast_in_dim3A_782 = vector.broadcast %add3A_751 : i32 to vector<16xi32>
      tpu.vector_store_idx %arg15[%broadcast_in_dim3A_782], %masked_cumsum3A_781 masked %eq3A_293 : memref<512xf32, #tpu.memory_space<vmem>>[vector<16xi32>], vector<16xf32>, vector<16xi1>
      %add3A_783 = arith.constant 5 : i32
      %add3A_784 = arith.addi %multiple_of3A_620, %add3A_783 : i32
      %get3A_785 = arith.index_cast %add3A_784 : i32 to index
      %get3A_786 = arith.constant 0 : index
      %get3A_787 = tpu.vector_load %arg11[%get3A_785, %get3A_786] {strides = array<i32>} : memref<512x64xbf16, #tpu.memory_space<vmem>>, vector<32xbf16>,
      %unpack3A_788 = tpu.unpack_subelements %get3A_787, 0 {pack_format = #tpu.pack_format<interleaved>} : vector<32xbf16> -> vector<16xf32>
      %unpack3A_789 = tpu.unpack_subelements %get3A_787, 1 {pack_format = #tpu.pack_format<interleaved>} : vector<32xbf16> -> vector<16xf32>
      %get3A_790 = arith.index_cast %add3A_784 : i32 to index
      %get3A_791 = arith.constant 0 : index
      %get3A_792 = tpu.vector_load %arg12[%get3A_790, %get3A_791] {strides = array<i32>} : memref<512x64xbf16, #tpu.memory_space<vmem>>, vector<32xbf16>,
      %unpack3A_793 = tpu.unpack_subelements %get3A_792, 0 {pack_format = #tpu.pack_format<interleaved>} : vector<32xbf16> -> vector<16xf32>
      %unpack3A_794 = tpu.unpack_subelements %get3A_792, 1 {pack_format = #tpu.pack_format<interleaved>} : vector<32xbf16> -> vector<16xf32>
      %mul3A_795 = arith.mulf %unpack3A_788, %unpack3A_793 : vector<16xf32>
      %mul3A_796 = arith.mulf %unpack3A_789, %unpack3A_794 : vector<16xf32>
      %add3A_797 = arith.addf %mul3A_795, %mul3A_796 : vector<16xf32>
      %get3A_798 = arith.index_cast %add3A_784 : i32 to index
      %get3A_799 = arith.constant 32 : index
      %get3A_800 = tpu.vector_load %arg11[%get3A_798, %get3A_799] {strides = array<i32>} : memref<512x64xbf16, #tpu.memory_space<vmem>>, vector<32xbf16>,
      %unpack3A_801 = tpu.unpack_subelements %get3A_800, 0 {pack_format = #tpu.pack_format<interleaved>} : vector<32xbf16> -> vector<16xf32>
      %unpack3A_802 = tpu.unpack_subelements %get3A_800, 1 {pack_format = #tpu.pack_format<interleaved>} : vector<32xbf16> -> vector<16xf32>
      %get3A_803 = arith.index_cast %add3A_784 : i32 to index
      %get3A_804 = arith.constant 32 : index
      %get3A_805 = tpu.vector_load %arg12[%get3A_803, %get3A_804] {strides = array<i32>} : memref<512x64xbf16, #tpu.memory_space<vmem>>, vector<32xbf16>,
      %unpack3A_806 = tpu.unpack_subelements %get3A_805, 0 {pack_format = #tpu.pack_format<interleaved>} : vector<32xbf16> -> vector<16xf32>
      %unpack3A_807 = tpu.unpack_subelements %get3A_805, 1 {pack_format = #tpu.pack_format<interleaved>} : vector<32xbf16> -> vector<16xf32>
      %mul3A_808 = arith.mulf %unpack3A_801, %unpack3A_806 : vector<16xf32>
      %add3A_809 = arith.addf %add3A_797, %mul3A_808 : vector<16xf32>
      %mul3A_810 = arith.mulf %unpack3A_802, %unpack3A_807 : vector<16xf32>
      %add3A_811 = arith.addf %add3A_809, %mul3A_810 : vector<16xf32>
      %broadcast_in_dim3A_812 = arith.constant true
      %broadcast_in_dim3A_813 = vector.broadcast %broadcast_in_dim3A_812 : i1 to vector<16xi1>
      %masked_cumsum3A_814 = tpu.scan <sum>, %add3A_811 masked %broadcast_in_dim3A_813 : vector<16xf32>, vector<16xi1> -> vector<16xf32>
      %broadcast_in_dim3A_815 = vector.broadcast %add3A_784 : i32 to vector<16xi32>
      tpu.vector_store_idx %arg15[%broadcast_in_dim3A_815], %masked_cumsum3A_814 masked %eq3A_293 : memref<512xf32, #tpu.memory_space<vmem>>[vector<16xi32>], vector<16xf32>, vector<16xi1>
      %add3A_816 = arith.constant 6 : i32
      %add3A_817 = arith.addi %multiple_of3A_620, %add3A_816 : i32
      %get3A_818 = arith.index_cast %add3A_817 : i32 to index
      %get3A_819 = arith.constant 0 : index
      %get3A_820 = tpu.vector_load %arg11[%get3A_818, %get3A_819] {strides = array<i32>} : memref<512x64xbf16, #tpu.memory_space<vmem>>, vector<32xbf16>,
      %unpack3A_821 = tpu.unpack_subelements %get3A_820, 0 {pack_format = #tpu.pack_format<interleaved>} : vector<32xbf16> -> vector<16xf32>
      %unpack3A_822 = tpu.unpack_subelements %get3A_820, 1 {pack_format = #tpu.pack_format<interleaved>} : vector<32xbf16> -> vector<16xf32>
      %get3A_823 = arith.index_cast %add3A_817 : i32 to index
      %get3A_824 = arith.constant 0 : index
      %get3A_825 = tpu.vector_load %arg12[%get3A_823, %get3A_824] {strides = array<i32>} : memref<512x64xbf16, #tpu.memory_space<vmem>>, vector<32xbf16>,
      %unpack3A_826 = tpu.unpack_subelements %get3A_825, 0 {pack_format = #tpu.pack_format<interleaved>} : vector<32xbf16> -> vector<16xf32>
      %unpack3A_827 = tpu.unpack_subelements %get3A_825, 1 {pack_format = #tpu.pack_format<interleaved>} : vector<32xbf16> -> vector<16xf32>
      %mul3A_828 = arith.mulf %unpack3A_821, %unpack3A_826 : vector<16xf32>
      %mul3A_829 = arith.mulf %unpack3A_822, %unpack3A_827 : vector<16xf32>
      %add3A_830 = arith.addf %mul3A_828, %mul3A_829 : vector<16xf32>
      %get3A_831 = arith.index_cast %add3A_817 : i32 to index
      %get3A_832 = arith.constant 32 : index
      %get3A_833 = tpu.vector_load %arg11[%get3A_831, %get3A_832] {strides = array<i32>} : memref<512x64xbf16, #tpu.memory_space<vmem>>, vector<32xbf16>,
      %unpack3A_834 = tpu.unpack_subelements %get3A_833, 0 {pack_format = #tpu.pack_format<interleaved>} : vector<32xbf16> -> vector<16xf32>
      %unpack3A_835 = tpu.unpack_subelements %get3A_833, 1 {pack_format = #tpu.pack_format<interleaved>} : vector<32xbf16> -> vector<16xf32>
      %get3A_836 = arith.index_cast %add3A_817 : i32 to index
      %get3A_837 = arith.constant 32 : index
      %get3A_838 = tpu.vector_load %arg12[%get3A_836, %get3A_837] {strides = array<i32>} : memref<512x64xbf16, #tpu.memory_space<vmem>>, vector<32xbf16>,
      %unpack3A_839 = tpu.unpack_subelements %get3A_838, 0 {pack_format = #tpu.pack_format<interleaved>} : vector<32xbf16> -> vector<16xf32>
      %unpack3A_840 = tpu.unpack_subelements %get3A_838, 1 {pack_format = #tpu.pack_format<interleaved>} : vector<32xbf16> -> vector<16xf32>
      %mul3A_841 = arith.mulf %unpack3A_834, %unpack3A_839 : vector<16xf32>
      %add3A_842 = arith.addf %add3A_830, %mul3A_841 : vector<16xf32>
      %mul3A_843 = arith.mulf %unpack3A_835, %unpack3A_840 : vector<16xf32>
      %add3A_844 = arith.addf %add3A_842, %mul3A_843 : vector<16xf32>
      %broadcast_in_dim3A_845 = arith.constant true
      %broadcast_in_dim3A_846 = vector.broadcast %broadcast_in_dim3A_845 : i1 to vector<16xi1>
      %masked_cumsum3A_847 = tpu.scan <sum>, %add3A_844 masked %broadcast_in_dim3A_846 : vector<16xf32>, vector<16xi1> -> vector<16xf32>
      %broadcast_in_dim3A_848 = vector.broadcast %add3A_817 : i32 to vector<16xi32>
      tpu.vector_store_idx %arg15[%broadcast_in_dim3A_848], %masked_cumsum3A_847 masked %eq3A_293 : memref<512xf32, #tpu.memory_space<vmem>>[vector<16xi32>], vector<16xf32>, vector<16xi1>
      %add3A_849 = arith.constant 7 : i32
      %add3A_850 = arith.addi %multiple_of3A_620, %add3A_849 : i32
      %get3A_851 = arith.index_cast %add3A_850 : i32 to index
      %get3A_852 = arith.constant 0 : index
      %get3A_853 = tpu.vector_load %arg11[%get3A_851, %get3A_852] {strides = array<i32>} : memref<512x64xbf16, #tpu.memory_space<vmem>>, vector<32xbf16>,
      %unpack3A_854 = tpu.unpack_subelements %get3A_853, 0 {pack_format = #tpu.pack_format<interleaved>} : vector<32xbf16> -> vector<16xf32>
      %unpack3A_855 = tpu.unpack_subelements %get3A_853, 1 {pack_format = #tpu.pack_format<interleaved>} : vector<32xbf16> -> vector<16xf32>
      %get3A_856 = arith.index_cast %add3A_850 : i32 to index
      %get3A_857 = arith.constant 0 : index
      %get3A_858 = tpu.vector_load %arg12[%get3A_856, %get3A_857] {strides = array<i32>} : memref<512x64xbf16, #tpu.memory_space<vmem>>, vector<32xbf16>,
      %unpack3A_859 = tpu.unpack_subelements %get3A_858, 0 {pack_format = #tpu.pack_format<interleaved>} : vector<32xbf16> -> vector<16xf32>
      %unpack3A_860 = tpu.unpack_subelements %get3A_858, 1 {pack_format = #tpu.pack_format<interleaved>} : vector<32xbf16> -> vector<16xf32>
      %mul3A_861 = arith.mulf %unpack3A_854, %unpack3A_859 : vector<16xf32>
      %mul3A_862 = arith.mulf %unpack3A_855, %unpack3A_860 : vector<16xf32>
      %add3A_863 = arith.addf %mul3A_861, %mul3A_862 : vector<16xf32>
      %get3A_864 = arith.index_cast %add3A_850 : i32 to index
      %get3A_865 = arith.constant 32 : index
      %get3A_866 = tpu.vector_load %arg11[%get3A_864, %get3A_865] {strides = array<i32>} : memref<512x64xbf16, #tpu.memory_space<vmem>>, vector<32xbf16>,
      %unpack3A_867 = tpu.unpack_subelements %get3A_866, 0 {pack_format = #tpu.pack_format<interleaved>} : vector<32xbf16> -> vector<16xf32>
      %unpack3A_868 = tpu.unpack_subelements %get3A_866, 1 {pack_format = #tpu.pack_format<interleaved>} : vector<32xbf16> -> vector<16xf32>
      %get3A_869 = arith.index_cast %add3A_850 : i32 to index
      %get3A_870 = arith.constant 32 : index
      %get3A_871 = tpu.vector_load %arg12[%get3A_869, %get3A_870] {strides = array<i32>} : memref<512x64xbf16, #tpu.memory_space<vmem>>, vector<32xbf16>,
      %unpack3A_872 = tpu.unpack_subelements %get3A_871, 0 {pack_format = #tpu.pack_format<interleaved>} : vector<32xbf16> -> vector<16xf32>
      %unpack3A_873 = tpu.unpack_subelements %get3A_871, 1 {pack_format = #tpu.pack_format<interleaved>} : vector<32xbf16> -> vector<16xf32>
      %mul3A_874 = arith.mulf %unpack3A_867, %unpack3A_872 : vector<16xf32>
      %add3A_875 = arith.addf %add3A_863, %mul3A_874 : vector<16xf32>
      %mul3A_876 = arith.mulf %unpack3A_868, %unpack3A_873 : vector<16xf32>
      %add3A_877 = arith.addf %add3A_875, %mul3A_876 : vector<16xf32>
      %broadcast_in_dim3A_878 = arith.constant true
      %broadcast_in_dim3A_879 = vector.broadcast %broadcast_in_dim3A_878 : i1 to vector<16xi1>
      %masked_cumsum3A_880 = tpu.scan <sum>, %add3A_877 masked %broadcast_in_dim3A_879 : vector<16xf32>, vector<16xi1> -> vector<16xf32>
      %broadcast_in_dim3A_881 = vector.broadcast %add3A_850 : i32 to vector<16xi32>
      tpu.vector_store_idx %arg15[%broadcast_in_dim3A_881], %masked_cumsum3A_880 masked %eq3A_293 : memref<512xf32, #tpu.memory_space<vmem>>[vector<16xi32>], vector<16xf32>, vector<16xi1>
      %add3A_882 = arith.constant 8 : i32
      %add3A_883 = arith.addi %multiple_of3A_620, %add3A_882 : i32
      %get3A_884 = arith.index_cast %add3A_883 : i32 to index
      %get3A_885 = arith.constant 0 : index
      %get3A_886 = tpu.vector_load %arg11[%get3A_884, %get3A_885] {strides = array<i32>} : memref<512x64xbf16, #tpu.memory_space<vmem>>, vector<32xbf16>,
      %unpack3A_887 = tpu.unpack_subelements %get3A_886, 0 {pack_format = #tpu.pack_format<interleaved>} : vector<32xbf16> -> vector<16xf32>
      %unpack3A_888 = tpu.unpack_subelements %get3A_886, 1 {pack_format = #tpu.pack_format<interleaved>} : vector<32xbf16> -> vector<16xf32>
      %get3A_889 = arith.index_cast %add3A_883 : i32 to index
      %get3A_890 = arith.constant 0 : index
      %get3A_891 = tpu.vector_load %arg12[%get3A_889, %get3A_890] {strides = array<i32>} : memref<512x64xbf16, #tpu.memory_space<vmem>>, vector<32xbf16>,
      %unpack3A_892 = tpu.unpack_subelements %get3A_891, 0 {pack_format = #tpu.pack_format<interleaved>} : vector<32xbf16> -> vector<16xf32>
      %unpack3A_893 = tpu.unpack_subelements %get3A_891, 1 {pack_format = #tpu.pack_format<interleaved>} : vector<32xbf16> -> vector<16xf32>
      %mul3A_894 = arith.mulf %unpack3A_887, %unpack3A_892 : vector<16xf32>
      %mul3A_895 = arith.mulf %unpack3A_888, %unpack3A_893 : vector<16xf32>
      %add3A_896 = arith.addf %mul3A_894, %mul3A_895 : vector<16xf32>
      %get3A_897 = arith.index_cast %add3A_883 : i32 to index
      %get3A_898 = arith.constant 32 : index
      %get3A_899 = tpu.vector_load %arg11[%get3A_897, %get3A_898] {strides = array<i32>} : memref<512x64xbf16, #tpu.memory_space<vmem>>, vector<32xbf16>,
      %unpack3A_900 = tpu.unpack_subelements %get3A_899, 0 {pack_format = #tpu.pack_format<interleaved>} : vector<32xbf16> -> vector<16xf32>
      %unpack3A_901 = tpu.unpack_subelements %get3A_899, 1 {pack_format = #tpu.pack_format<interleaved>} : vector<32xbf16> -> vector<16xf32>
      %get3A_902 = arith.index_cast %add3A_883 : i32 to index
      %get3A_903 = arith.constant 32 : index
      %get3A_904 = tpu.vector_load %arg12[%get3A_902, %get3A_903] {strides = array<i32>} : memref<512x64xbf16, #tpu.memory_space<vmem>>, vector<32xbf16>,
      %unpack3A_905 = tpu.unpack_subelements %get3A_904, 0 {pack_format = #tpu.pack_format<interleaved>} : vector<32xbf16> -> vector<16xf32>
      %unpack3A_906 = tpu.unpack_subelements %get3A_904, 1 {pack_format = #tpu.pack_format<interleaved>} : vector<32xbf16> -> vector<16xf32>
      %mul3A_907 = arith.mulf %unpack3A_900, %unpack3A_905 : vector<16xf32>
      %add3A_908 = arith.addf %add3A_896, %mul3A_907 : vector<16xf32>
      %mul3A_909 = arith.mulf %unpack3A_901, %unpack3A_906 : vector<16xf32>
      %add3A_910 = arith.addf %add3A_908, %mul3A_909 : vector<16xf32>
      %broadcast_in_dim3A_911 = arith.constant true
      %broadcast_in_dim3A_912 = vector.broadcast %broadcast_in_dim3A_911 : i1 to vector<16xi1>
      %masked_cumsum3A_913 = tpu.scan <sum>, %add3A_910 masked %broadcast_in_dim3A_912 : vector<16xf32>, vector<16xi1> -> vector<16xf32>
      %broadcast_in_dim3A_914 = vector.broadcast %add3A_883 : i32 to vector<16xi32>
      tpu.vector_store_idx %arg15[%broadcast_in_dim3A_914], %masked_cumsum3A_913 masked %eq3A_293 : memref<512xf32, #tpu.memory_space<vmem>>[vector<16xi32>], vector<16xf32>, vector<16xi1>
      %add3A_915 = arith.constant 9 : i32
      %add3A_916 = arith.addi %multiple_of3A_620, %add3A_915 : i32
      %get3A_917 = arith.index_cast %add3A_916 : i32 to index
      %get3A_918 = arith.constant 0 : index
      %get3A_919 = tpu.vector_load %arg11[%get3A_917, %get3A_918] {strides = array<i32>} : memref<512x64xbf16, #tpu.memory_space<vmem>>, vector<32xbf16>,
      %unpack3A_920 = tpu.unpack_subelements %get3A_919, 0 {pack_format = #tpu.pack_format<interleaved>} : vector<32xbf16> -> vector<16xf32>
      %unpack3A_921 = tpu.unpack_subelements %get3A_919, 1 {pack_format = #tpu.pack_format<interleaved>} : vector<32xbf16> -> vector<16xf32>
      %get3A_922 = arith.index_cast %add3A_916 : i32 to index
      %get3A_923 = arith.constant 0 : index
      %get3A_924 = tpu.vector_load %arg12[%get3A_922, %get3A_923] {strides = array<i32>} : memref<512x64xbf16, #tpu.memory_space<vmem>>, vector<32xbf16>,
      %unpack3A_925 = tpu.unpack_subelements %get3A_924, 0 {pack_format = #tpu.pack_format<interleaved>} : vector<32xbf16> -> vector<16xf32>
      %unpack3A_926 = tpu.unpack_subelements %get3A_924, 1 {pack_format = #tpu.pack_format<interleaved>} : vector<32xbf16> -> vector<16xf32>
      %mul3A_927 = arith.mulf %unpack3A_920, %unpack3A_925 : vector<16xf32>
      %mul3A_928 = arith.mulf %unpack3A_921, %unpack3A_926 : vector<16xf32>
      %add3A_929 = arith.addf %mul3A_927, %mul3A_928 : vector<16xf32>
      %get3A_930 = arith.index_cast %add3A_916 : i32 to index
      %get3A_931 = arith.constant 32 : index
      %get3A_932 = tpu.vector_load %arg11[%get3A_930, %get3A_931] {strides = array<i32>} : memref<512x64xbf16, #tpu.memory_space<vmem>>, vector<32xbf16>,
      %unpack3A_933 = tpu.unpack_subelements %get3A_932, 0 {pack_format = #tpu.pack_format<interleaved>} : vector<32xbf16> -> vector<16xf32>
      %unpack3A_934 = tpu.unpack_subelements %get3A_932, 1 {pack_format = #tpu.pack_format<interleaved>} : vector<32xbf16> -> vector<16xf32>
      %get3A_935 = arith.index_cast %add3A_916 : i32 to index
      %get3A_936 = arith.constant 32 : index
      %get3A_937 = tpu.vector_load %arg12[%get3A_935, %get3A_936] {strides = array<i32>} : memref<512x64xbf16, #tpu.memory_space<vmem>>, vector<32xbf16>,
      %unpack3A_938 = tpu.unpack_subelements %get3A_937, 0 {pack_format = #tpu.pack_format<interleaved>} : vector<32xbf16> -> vector<16xf32>
      %unpack3A_939 = tpu.unpack_subelements %get3A_937, 1 {pack_format = #tpu.pack_format<interleaved>} : vector<32xbf16> -> vector<16xf32>
      %mul3A_940 = arith.mulf %unpack3A_933, %unpack3A_938 : vector<16xf32>
      %add3A_941 = arith.addf %add3A_929, %mul3A_940 : vector<16xf32>
      %mul3A_942 = arith.mulf %unpack3A_934, %unpack3A_939 : vector<16xf32>
      %add3A_943 = arith.addf %add3A_941, %mul3A_942 : vector<16xf32>
      %broadcast_in_dim3A_944 = arith.constant true
      %broadcast_in_dim3A_945 = vector.broadcast %broadcast_in_dim3A_944 : i1 to vector<16xi1>
      %masked_cumsum3A_946 = tpu.scan <sum>, %add3A_943 masked %broadcast_in_dim3A_945 : vector<16xf32>, vector<16xi1> -> vector<16xf32>
      %broadcast_in_dim3A_947 = vector.broadcast %add3A_916 : i32 to vector<16xi32>
      tpu.vector_store_idx %arg15[%broadcast_in_dim3A_947], %masked_cumsum3A_946 masked %eq3A_293 : memref<512xf32, #tpu.memory_space<vmem>>[vector<16xi32>], vector<16xf32>, vector<16xi1>
      %add3A_948 = arith.constant 10 : i32
      %add3A_949 = arith.addi %multiple_of3A_620, %add3A_948 : i32
      %get3A_950 = arith.index_cast %add3A_949 : i32 to index
      %get3A_951 = arith.constant 0 : index
      %get3A_952 = tpu.vector_load %arg11[%get3A_950, %get3A_951] {strides = array<i32>} : memref<512x64xbf16, #tpu.memory_space<vmem>>, vector<32xbf16>,
      %unpack3A_953 = tpu.unpack_subelements %get3A_952, 0 {pack_format = #tpu.pack_format<interleaved>} : vector<32xbf16> -> vector<16xf32>
      %unpack3A_954 = tpu.unpack_subelements %get3A_952, 1 {pack_format = #tpu.pack_format<interleaved>} : vector<32xbf16> -> vector<16xf32>
      %get3A_955 = arith.index_cast %add3A_949 : i32 to index
      %get3A_956 = arith.constant 0 : index
      %get3A_957 = tpu.vector_load %arg12[%get3A_955, %get3A_956] {strides = array<i32>} : memref<512x64xbf16, #tpu.memory_space<vmem>>, vector<32xbf16>,
      %unpack3A_958 = tpu.unpack_subelements %get3A_957, 0 {pack_format = #tpu.pack_format<interleaved>} : vector<32xbf16> -> vector<16xf32>
      %unpack3A_959 = tpu.unpack_subelements %get3A_957, 1 {pack_format = #tpu.pack_format<interleaved>} : vector<32xbf16> -> vector<16xf32>
      %mul3A_960 = arith.mulf %unpack3A_953, %unpack3A_958 : vector<16xf32>
      %mul3A_961 = arith.mulf %unpack3A_954, %unpack3A_959 : vector<16xf32>
      %add3A_962 = arith.addf %mul3A_960, %mul3A_961 : vector<16xf32>
      %get3A_963 = arith.index_cast %add3A_949 : i32 to index
      %get3A_964 = arith.constant 32 : index
      %get3A_965 = tpu.vector_load %arg11[%get3A_963, %get3A_964] {strides = array<i32>} : memref<512x64xbf16, #tpu.memory_space<vmem>>, vector<32xbf16>,
      %unpack3A_966 = tpu.unpack_subelements %get3A_965, 0 {pack_format = #tpu.pack_format<interleaved>} : vector<32xbf16> -> vector<16xf32>
      %unpack3A_967 = tpu.unpack_subelements %get3A_965, 1 {pack_format = #tpu.pack_format<interleaved>} : vector<32xbf16> -> vector<16xf32>
      %get3A_968 = arith.index_cast %add3A_949 : i32 to index
      %get3A_969 = arith.constant 32 : index
      %get3A_970 = tpu.vector_load %arg12[%get3A_968, %get3A_969] {strides = array<i32>} : memref<512x64xbf16, #tpu.memory_space<vmem>>, vector<32xbf16>,
      %unpack3A_971 = tpu.unpack_subelements %get3A_970, 0 {pack_format = #tpu.pack_format<interleaved>} : vector<32xbf16> -> vector<16xf32>
      %unpack3A_972 = tpu.unpack_subelements %get3A_970, 1 {pack_format = #tpu.pack_format<interleaved>} : vector<32xbf16> -> vector<16xf32>
      %mul3A_973 = arith.mulf %unpack3A_966, %unpack3A_971 : vector<16xf32>
      %add3A_974 = arith.addf %add3A_962, %mul3A_973 : vector<16xf32>
      %mul3A_975 = arith.mulf %unpack3A_967, %unpack3A_972 : vector<16xf32>
      %add3A_976 = arith.addf %add3A_974, %mul3A_975 : vector<16xf32>
      %broadcast_in_dim3A_977 = arith.constant true
      %broadcast_in_dim3A_978 = vector.broadcast %broadcast_in_dim3A_977 : i1 to vector<16xi1>
      %masked_cumsum3A_979 = tpu.scan <sum>, %add3A_976 masked %broadcast_in_dim3A_978 : vector<16xf32>, vector<16xi1> -> vector<16xf32>
      %broadcast_in_dim3A_980 = vector.broadcast %add3A_949 : i32 to vector<16xi32>
      tpu.vector_store_idx %arg15[%broadcast_in_dim3A_980], %masked_cumsum3A_979 masked %eq3A_293 : memref<512xf32, #tpu.memory_space<vmem>>[vector<16xi32>], vector<16xf32>, vector<16xi1>
      %add3A_981 = arith.constant 11 : i32
      %add3A_982 = arith.addi %multiple_of3A_620, %add3A_981 : i32
      %get3A_983 = arith.index_cast %add3A_982 : i32 to index
      %get3A_984 = arith.constant 0 : index
      %get3A_985 = tpu.vector_load %arg11[%get3A_983, %get3A_984] {strides = array<i32>} : memref<512x64xbf16, #tpu.memory_space<vmem>>, vector<32xbf16>,
      %unpack3A_986 = tpu.unpack_subelements %get3A_985, 0 {pack_format = #tpu.pack_format<interleaved>} : vector<32xbf16> -> vector<16xf32>
      %unpack3A_987 = tpu.unpack_subelements %get3A_985, 1 {pack_format = #tpu.pack_format<interleaved>} : vector<32xbf16> -> vector<16xf32>
      %get3A_988 = arith.index_cast %add3A_982 : i32 to index
      %get3A_989 = arith.constant 0 : index
      %get3A_990 = tpu.vector_load %arg12[%get3A_988, %get3A_989] {strides = array<i32>} : memref<512x64xbf16, #tpu.memory_space<vmem>>, vector<32xbf16>,
      %unpack3A_991 = tpu.unpack_subelements %get3A_990, 0 {pack_format = #tpu.pack_format<interleaved>} : vector<32xbf16> -> vector<16xf32>
      %unpack3A_992 = tpu.unpack_subelements %get3A_990, 1 {pack_format = #tpu.pack_format<interleaved>} : vector<32xbf16> -> vector<16xf32>
      %mul3A_993 = arith.mulf %unpack3A_986, %unpack3A_991 : vector<16xf32>
      %mul3A_994 = arith.mulf %unpack3A_987, %unpack3A_992 : vector<16xf32>
      %add3A_995 = arith.addf %mul3A_993, %mul3A_994 : vector<16xf32>
      %get3A_996 = arith.index_cast %add3A_982 : i32 to index
      %get3A_997 = arith.constant 32 : index
      %get3A_998 = tpu.vector_load %arg11[%get3A_996, %get3A_997] {strides = array<i32>} : memref<512x64xbf16, #tpu.memory_space<vmem>>, vector<32xbf16>,
      %unpack3A_999 = tpu.unpack_subelements %get3A_998, 0 {pack_format = #tpu.pack_format<interleaved>} : vector<32xbf16> -> vector<16xf32>
      %unpack3A_1000 = tpu.unpack_subelements %get3A_998, 1 {pack_format = #tpu.pack_format<interleaved>} : vector<32xbf16> -> vector<16xf32>
      %get3A_1001 = arith.index_cast %add3A_982 : i32 to index
      %get3A_1002 = arith.constant 32 : index
      %get3A_1003 = tpu.vector_load %arg12[%get3A_1001, %get3A_1002] {strides = array<i32>} : memref<512x64xbf16, #tpu.memory_space<vmem>>, vector<32xbf16>,
      %unpack3A_1004 = tpu.unpack_subelements %get3A_1003, 0 {pack_format = #tpu.pack_format<interleaved>} : vector<32xbf16> -> vector<16xf32>
      %unpack3A_1005 = tpu.unpack_subelements %get3A_1003, 1 {pack_format = #tpu.pack_format<interleaved>} : vector<32xbf16> -> vector<16xf32>
      %mul3A_1006 = arith.mulf %unpack3A_999, %unpack3A_1004 : vector<16xf32>
      %add3A_1007 = arith.addf %add3A_995, %mul3A_1006 : vector<16xf32>
      %mul3A_1008 = arith.mulf %unpack3A_1000, %unpack3A_1005 : vector<16xf32>
      %add3A_1009 = arith.addf %add3A_1007, %mul3A_1008 : vector<16xf32>
      %broadcast_in_dim3A_1010 = arith.constant true
      %broadcast_in_dim3A_1011 = vector.broadcast %broadcast_in_dim3A_1010 : i1 to vector<16xi1>
      %masked_cumsum3A_1012 = tpu.scan <sum>, %add3A_1009 masked %broadcast_in_dim3A_1011 : vector<16xf32>, vector<16xi1> -> vector<16xf32>
      %broadcast_in_dim3A_1013 = vector.broadcast %add3A_982 : i32 to vector<16xi32>
      tpu.vector_store_idx %arg15[%broadcast_in_dim3A_1013], %masked_cumsum3A_1012 masked %eq3A_293 : memref<512xf32, #tpu.memory_space<vmem>>[vector<16xi32>], vector<16xf32>, vector<16xi1>
      %add3A_1014 = arith.constant 12 : i32
      %add3A_1015 = arith.addi %multiple_of3A_620, %add3A_1014 : i32
      %get3A_1016 = arith.index_cast %add3A_1015 : i32 to index
      %get3A_1017 = arith.constant 0 : index
      %get3A_1018 = tpu.vector_load %arg11[%get3A_1016, %get3A_1017] {strides = array<i32>} : memref<512x64xbf16, #tpu.memory_space<vmem>>, vector<32xbf16>,
      %unpack3A_1019 = tpu.unpack_subelements %get3A_1018, 0 {pack_format = #tpu.pack_format<interleaved>} : vector<32xbf16> -> vector<16xf32>
      %unpack3A_1020 = tpu.unpack_subelements %get3A_1018, 1 {pack_format = #tpu.pack_format<interleaved>} : vector<32xbf16> -> vector<16xf32>
      %get3A_1021 = arith.index_cast %add3A_1015 : i32 to index
      %get3A_1022 = arith.constant 0 : index
      %get3A_1023 = tpu.vector_load %arg12[%get3A_1021, %get3A_1022] {strides = array<i32>} : memref<512x64xbf16, #tpu.memory_space<vmem>>, vector<32xbf16>,
      %unpack3A_1024 = tpu.unpack_subelements %get3A_1023, 0 {pack_format = #tpu.pack_format<interleaved>} : vector<32xbf16> -> vector<16xf32>
      %unpack3A_1025 = tpu.unpack_subelements %get3A_1023, 1 {pack_format = #tpu.pack_format<interleaved>} : vector<32xbf16> -> vector<16xf32>
      %mul3A_1026 = arith.mulf %unpack3A_1019, %unpack3A_1024 : vector<16xf32>
      %mul3A_1027 = arith.mulf %unpack3A_1020, %unpack3A_1025 : vector<16xf32>
      %add3A_1028 = arith.addf %mul3A_1026, %mul3A_1027 : vector<16xf32>
      %get3A_1029 = arith.index_cast %add3A_1015 : i32 to index
      %get3A_1030 = arith.constant 32 : index
      %get3A_1031 = tpu.vector_load %arg11[%get3A_1029, %get3A_1030] {strides = array<i32>} : memref<512x64xbf16, #tpu.memory_space<vmem>>, vector<32xbf16>,
      %unpack3A_1032 = tpu.unpack_subelements %get3A_1031, 0 {pack_format = #tpu.pack_format<interleaved>} : vector<32xbf16> -> vector<16xf32>
      %unpack3A_1033 = tpu.unpack_subelements %get3A_1031, 1 {pack_format = #tpu.pack_format<interleaved>} : vector<32xbf16> -> vector<16xf32>
      %get3A_1034 = arith.index_cast %add3A_1015 : i32 to index
      %get3A_1035 = arith.constant 32 : index
      %get3A_1036 = tpu.vector_load %arg12[%get3A_1034, %get3A_1035] {strides = array<i32>} : memref<512x64xbf16, #tpu.memory_space<vmem>>, vector<32xbf16>,
      %unpack3A_1037 = tpu.unpack_subelements %get3A_1036, 0 {pack_format = #tpu.pack_format<interleaved>} : vector<32xbf16> -> vector<16xf32>
      %unpack3A_1038 = tpu.unpack_subelements %get3A_1036, 1 {pack_format = #tpu.pack_format<interleaved>} : vector<32xbf16> -> vector<16xf32>
      %mul3A_1039 = arith.mulf %unpack3A_1032, %unpack3A_1037 : vector<16xf32>
      %add3A_1040 = arith.addf %add3A_1028, %mul3A_1039 : vector<16xf32>
      %mul3A_1041 = arith.mulf %unpack3A_1033, %unpack3A_1038 : vector<16xf32>
      %add3A_1042 = arith.addf %add3A_1040, %mul3A_1041 : vector<16xf32>
      %broadcast_in_dim3A_1043 = arith.constant true
      %broadcast_in_dim3A_1044 = vector.broadcast %broadcast_in_dim3A_1043 : i1 to vector<16xi1>
      %masked_cumsum3A_1045 = tpu.scan <sum>, %add3A_1042 masked %broadcast_in_dim3A_1044 : vector<16xf32>, vector<16xi1> -> vector<16xf32>
      %broadcast_in_dim3A_1046 = vector.broadcast %add3A_1015 : i32 to vector<16xi32>
      tpu.vector_store_idx %arg15[%broadcast_in_dim3A_1046], %masked_cumsum3A_1045 masked %eq3A_293 : memref<512xf32, #tpu.memory_space<vmem>>[vector<16xi32>], vector<16xf32>, vector<16xi1>
      %add3A_1047 = arith.constant 13 : i32
      %add3A_1048 = arith.addi %multiple_of3A_620, %add3A_1047 : i32
      %get3A_1049 = arith.index_cast %add3A_1048 : i32 to index
      %get3A_1050 = arith.constant 0 : index
      %get3A_1051 = tpu.vector_load %arg11[%get3A_1049, %get3A_1050] {strides = array<i32>} : memref<512x64xbf16, #tpu.memory_space<vmem>>, vector<32xbf16>,
      %unpack3A_1052 = tpu.unpack_subelements %get3A_1051, 0 {pack_format = #tpu.pack_format<interleaved>} : vector<32xbf16> -> vector<16xf32>
      %unpack3A_1053 = tpu.unpack_subelements %get3A_1051, 1 {pack_format = #tpu.pack_format<interleaved>} : vector<32xbf16> -> vector<16xf32>
      %get3A_1054 = arith.index_cast %add3A_1048 : i32 to index
      %get3A_1055 = arith.constant 0 : index
      %get3A_1056 = tpu.vector_load %arg12[%get3A_1054, %get3A_1055] {strides = array<i32>} : memref<512x64xbf16, #tpu.memory_space<vmem>>, vector<32xbf16>,
      %unpack3A_1057 = tpu.unpack_subelements %get3A_1056, 0 {pack_format = #tpu.pack_format<interleaved>} : vector<32xbf16> -> vector<16xf32>
      %unpack3A_1058 = tpu.unpack_subelements %get3A_1056, 1 {pack_format = #tpu.pack_format<interleaved>} : vector<32xbf16> -> vector<16xf32>
      %mul3A_1059 = arith.mulf %unpack3A_1052, %unpack3A_1057 : vector<16xf32>
      %mul3A_1060 = arith.mulf %unpack3A_1053, %unpack3A_1058 : vector<16xf32>
      %add3A_1061 = arith.addf %mul3A_1059, %mul3A_1060 : vector<16xf32>
      %get3A_1062 = arith.index_cast %add3A_1048 : i32 to index
      %get3A_1063 = arith.constant 32 : index
      %get3A_1064 = tpu.vector_load %arg11[%get3A_1062, %get3A_1063] {strides = array<i32>} : memref<512x64xbf16, #tpu.memory_space<vmem>>, vector<32xbf16>,
      %unpack3A_1065 = tpu.unpack_subelements %get3A_1064, 0 {pack_format = #tpu.pack_format<interleaved>} : vector<32xbf16> -> vector<16xf32>
      %unpack3A_1066 = tpu.unpack_subelements %get3A_1064, 1 {pack_format = #tpu.pack_format<interleaved>} : vector<32xbf16> -> vector<16xf32>
      %get3A_1067 = arith.index_cast %add3A_1048 : i32 to index
      %get3A_1068 = arith.constant 32 : index
      %get3A_1069 = tpu.vector_load %arg12[%get3A_1067, %get3A_1068] {strides = array<i32>} : memref<512x64xbf16, #tpu.memory_space<vmem>>, vector<32xbf16>,
      %unpack3A_1070 = tpu.unpack_subelements %get3A_1069, 0 {pack_format = #tpu.pack_format<interleaved>} : vector<32xbf16> -> vector<16xf32>
      %unpack3A_1071 = tpu.unpack_subelements %get3A_1069, 1 {pack_format = #tpu.pack_format<interleaved>} : vector<32xbf16> -> vector<16xf32>
      %mul3A_1072 = arith.mulf %unpack3A_1065, %unpack3A_1070 : vector<16xf32>
      %add3A_1073 = arith.addf %add3A_1061, %mul3A_1072 : vector<16xf32>
      %mul3A_1074 = arith.mulf %unpack3A_1066, %unpack3A_1071 : vector<16xf32>
      %add3A_1075 = arith.addf %add3A_1073, %mul3A_1074 : vector<16xf32>
      %broadcast_in_dim3A_1076 = arith.constant true
      %broadcast_in_dim3A_1077 = vector.broadcast %broadcast_in_dim3A_1076 : i1 to vector<16xi1>
      %masked_cumsum3A_1078 = tpu.scan <sum>, %add3A_1075 masked %broadcast_in_dim3A_1077 : vector<16xf32>, vector<16xi1> -> vector<16xf32>
      %broadcast_in_dim3A_1079 = vector.broadcast %add3A_1048 : i32 to vector<16xi32>
      tpu.vector_store_idx %arg15[%broadcast_in_dim3A_1079], %masked_cumsum3A_1078 masked %eq3A_293 : memref<512xf32, #tpu.memory_space<vmem>>[vector<16xi32>], vector<16xf32>, vector<16xi1>
      %add3A_1080 = arith.constant 14 : i32
      %add3A_1081 = arith.addi %multiple_of3A_620, %add3A_1080 : i32
      %get3A_1082 = arith.index_cast %add3A_1081 : i32 to index
      %get3A_1083 = arith.constant 0 : index
      %get3A_1084 = tpu.vector_load %arg11[%get3A_1082, %get3A_1083] {strides = array<i32>} : memref<512x64xbf16, #tpu.memory_space<vmem>>, vector<32xbf16>,
      %unpack3A_1085 = tpu.unpack_subelements %get3A_1084, 0 {pack_format = #tpu.pack_format<interleaved>} : vector<32xbf16> -> vector<16xf32>
      %unpack3A_1086 = tpu.unpack_subelements %get3A_1084, 1 {pack_format = #tpu.pack_format<interleaved>} : vector<32xbf16> -> vector<16xf32>
      %get3A_1087 = arith.index_cast %add3A_1081 : i32 to index
      %get3A_1088 = arith.constant 0 : index
      %get3A_1089 = tpu.vector_load %arg12[%get3A_1087, %get3A_1088] {strides = array<i32>} : memref<512x64xbf16, #tpu.memory_space<vmem>>, vector<32xbf16>,
      %unpack3A_1090 = tpu.unpack_subelements %get3A_1089, 0 {pack_format = #tpu.pack_format<interleaved>} : vector<32xbf16> -> vector<16xf32>
      %unpack3A_1091 = tpu.unpack_subelements %get3A_1089, 1 {pack_format = #tpu.pack_format<interleaved>} : vector<32xbf16> -> vector<16xf32>
      %mul3A_1092 = arith.mulf %unpack3A_1085, %unpack3A_1090 : vector<16xf32>
      %mul3A_1093 = arith.mulf %unpack3A_1086, %unpack3A_1091 : vector<16xf32>
      %add3A_1094 = arith.addf %mul3A_1092, %mul3A_1093 : vector<16xf32>
      %get3A_1095 = arith.index_cast %add3A_1081 : i32 to index
      %get3A_1096 = arith.constant 32 : index
      %get3A_1097 = tpu.vector_load %arg11[%get3A_1095, %get3A_1096] {strides = array<i32>} : memref<512x64xbf16, #tpu.memory_space<vmem>>, vector<32xbf16>,
      %unpack3A_1098 = tpu.unpack_subelements %get3A_1097, 0 {pack_format = #tpu.pack_format<interleaved>} : vector<32xbf16> -> vector<16xf32>
      %unpack3A_1099 = tpu.unpack_subelements %get3A_1097, 1 {pack_format = #tpu.pack_format<interleaved>} : vector<32xbf16> -> vector<16xf32>
      %get3A_1100 = arith.index_cast %add3A_1081 : i32 to index
      %get3A_1101 = arith.constant 32 : index
      %get3A_1102 = tpu.vector_load %arg12[%get3A_1100, %get3A_1101] {strides = array<i32>} : memref<512x64xbf16, #tpu.memory_space<vmem>>, vector<32xbf16>,
      %unpack3A_1103 = tpu.unpack_subelements %get3A_1102, 0 {pack_format = #tpu.pack_format<interleaved>} : vector<32xbf16> -> vector<16xf32>
      %unpack3A_1104 = tpu.unpack_subelements %get3A_1102, 1 {pack_format = #tpu.pack_format<interleaved>} : vector<32xbf16> -> vector<16xf32>
      %mul3A_1105 = arith.mulf %unpack3A_1098, %unpack3A_1103 : vector<16xf32>
      %add3A_1106 = arith.addf %add3A_1094, %mul3A_1105 : vector<16xf32>
      %mul3A_1107 = arith.mulf %unpack3A_1099, %unpack3A_1104 : vector<16xf32>
      %add3A_1108 = arith.addf %add3A_1106, %mul3A_1107 : vector<16xf32>
      %broadcast_in_dim3A_1109 = arith.constant true
      %broadcast_in_dim3A_1110 = vector.broadcast %broadcast_in_dim3A_1109 : i1 to vector<16xi1>
      %masked_cumsum3A_1111 = tpu.scan <sum>, %add3A_1108 masked %broadcast_in_dim3A_1110 : vector<16xf32>, vector<16xi1> -> vector<16xf32>
      %broadcast_in_dim3A_1112 = vector.broadcast %add3A_1081 : i32 to vector<16xi32>
      tpu.vector_store_idx %arg15[%broadcast_in_dim3A_1112], %masked_cumsum3A_1111 masked %eq3A_293 : memref<512xf32, #tpu.memory_space<vmem>>[vector<16xi32>], vector<16xf32>, vector<16xi1>
      %add3A_1113 = arith.constant 15 : i32
      %add3A_1114 = arith.addi %multiple_of3A_620, %add3A_1113 : i32
      %get3A_1115 = arith.index_cast %add3A_1114 : i32 to index
      %get3A_1116 = arith.constant 0 : index
      %get3A_1117 = tpu.vector_load %arg11[%get3A_1115, %get3A_1116] {strides = array<i32>} : memref<512x64xbf16, #tpu.memory_space<vmem>>, vector<32xbf16>,
      %unpack3A_1118 = tpu.unpack_subelements %get3A_1117, 0 {pack_format = #tpu.pack_format<interleaved>} : vector<32xbf16> -> vector<16xf32>
      %unpack3A_1119 = tpu.unpack_subelements %get3A_1117, 1 {pack_format = #tpu.pack_format<interleaved>} : vector<32xbf16> -> vector<16xf32>
      %get3A_1120 = arith.index_cast %add3A_1114 : i32 to index
      %get3A_1121 = arith.constant 0 : index
      %get3A_1122 = tpu.vector_load %arg12[%get3A_1120, %get3A_1121] {strides = array<i32>} : memref<512x64xbf16, #tpu.memory_space<vmem>>, vector<32xbf16>,
      %unpack3A_1123 = tpu.unpack_subelements %get3A_1122, 0 {pack_format = #tpu.pack_format<interleaved>} : vector<32xbf16> -> vector<16xf32>
      %unpack3A_1124 = tpu.unpack_subelements %get3A_1122, 1 {pack_format = #tpu.pack_format<interleaved>} : vector<32xbf16> -> vector<16xf32>
      %mul3A_1125 = arith.mulf %unpack3A_1118, %unpack3A_1123 : vector<16xf32>
      %mul3A_1126 = arith.mulf %unpack3A_1119, %unpack3A_1124 : vector<16xf32>
      %add3A_1127 = arith.addf %mul3A_1125, %mul3A_1126 : vector<16xf32>
      %get3A_1128 = arith.index_cast %add3A_1114 : i32 to index
      %get3A_1129 = arith.constant 32 : index
      %get3A_1130 = tpu.vector_load %arg11[%get3A_1128, %get3A_1129] {strides = array<i32>} : memref<512x64xbf16, #tpu.memory_space<vmem>>, vector<32xbf16>,
      %unpack3A_1131 = tpu.unpack_subelements %get3A_1130, 0 {pack_format = #tpu.pack_format<interleaved>} : vector<32xbf16> -> vector<16xf32>
      %unpack3A_1132 = tpu.unpack_subelements %get3A_1130, 1 {pack_format = #tpu.pack_format<interleaved>} : vector<32xbf16> -> vector<16xf32>
      %get3A_1133 = arith.index_cast %add3A_1114 : i32 to index
      %get3A_1134 = arith.constant 32 : index
      %get3A_1135 = tpu.vector_load %arg12[%get3A_1133, %get3A_1134] {strides = array<i32>} : memref<512x64xbf16, #tpu.memory_space<vmem>>, vector<32xbf16>,
      %unpack3A_1136 = tpu.unpack_subelements %get3A_1135, 0 {pack_format = #tpu.pack_format<interleaved>} : vector<32xbf16> -> vector<16xf32>
      %unpack3A_1137 = tpu.unpack_subelements %get3A_1135, 1 {pack_format = #tpu.pack_format<interleaved>} : vector<32xbf16> -> vector<16xf32>
      %mul3A_1138 = arith.mulf %unpack3A_1131, %unpack3A_1136 : vector<16xf32>
      %add3A_1139 = arith.addf %add3A_1127, %mul3A_1138 : vector<16xf32>
      %mul3A_1140 = arith.mulf %unpack3A_1132, %unpack3A_1137 : vector<16xf32>
      %add3A_1141 = arith.addf %add3A_1139, %mul3A_1140 : vector<16xf32>
      %broadcast_in_dim3A_1142 = arith.constant true
      %broadcast_in_dim3A_1143 = vector.broadcast %broadcast_in_dim3A_1142 : i1 to vector<16xi1>
      %masked_cumsum3A_1144 = tpu.scan <sum>, %add3A_1141 masked %broadcast_in_dim3A_1143 : vector<16xf32>, vector<16xi1> -> vector<16xf32>
      %broadcast_in_dim3A_1145 = vector.broadcast %add3A_1114 : i32 to vector<16xi32>
      tpu.vector_store_idx %arg15[%broadcast_in_dim3A_1145], %masked_cumsum3A_1144 masked %eq3A_293 : memref<512xf32, #tpu.memory_space<vmem>>[vector<16xi32>], vector<16xf32>, vector<16xi1>
    }
    %scan3A_298 = arith.constant 32 : i32
    %get3A = arith.constant 0 : index
    %get3A_299 = tpu.vector_load %arg15[%get3A] {strides = array<i32>} : memref<512xf32, #tpu.memory_space<vmem>>, vector<16xf32>,
    %get3A_300 = arith.constant 0 : index
    %get3A_301 = tpu.vector_load %arg13[%get3A_300] {strides = array<i32>} : memref<512xf32, #tpu.memory_space<vmem>>, vector<16xf32>,
    %add3A_302 = arith.addf %get3A_299, %get3A_301 : vector<16xf32>
    %get3A_303 = arith.constant 0 : index
    %get3A_304 = tpu.vector_load %arg14[%get3A_303] {strides = array<i32>} : memref<512xf32, #tpu.memory_space<vmem>>, vector<16xf32>,
    %add3A_305 = arith.addf %add3A_302, %get3A_304 : vector<16xf32>
    %swap3A = arith.constant 0 : index
    %swap3A_306 = tpu.vector_load %arg15[%swap3A] {strides = array<i32>} : memref<512xf32, #tpu.memory_space<vmem>>, vector<16xf32>,
    tpu.vector_store %arg15[%swap3A], %add3A_305 {strides = array<i32>} : memref<512xf32, #tpu.memory_space<vmem>>, vector<16xf32>,
    %get3A_307 = arith.constant 16 : index
    %get3A_308 = tpu.vector_load %arg15[%get3A_307] {strides = array<i32>} : memref<512xf32, #tpu.memory_space<vmem>>, vector<16xf32>,
    %get3A_309 = arith.constant 16 : index
    %get3A_310 = tpu.vector_load %arg13[%get3A_309] {strides = array<i32>} : memref<512xf32, #tpu.memory_space<vmem>>, vector<16xf32>,
    %add3A_311 = arith.addf %get3A_308, %get3A_310 : vector<16xf32>
    %get3A_312 = arith.constant 16 : index
    %get3A_313 = tpu.vector_load %arg14[%get3A_312] {strides = array<i32>} : memref<512xf32, #tpu.memory_space<vmem>>, vector<16xf32>,
    %add3A_314 = arith.addf %add3A_311, %get3A_313 : vector<16xf32>
    %swap3A_315 = arith.constant 16 : index
    %swap3A_316 = tpu.vector_load %arg15[%swap3A_315] {strides = array<i32>} : memref<512xf32, #tpu.memory_space<vmem>>, vector<16xf32>,
    tpu.vector_store %arg15[%swap3A_315], %add3A_314 {strides = array<i32>} : memref<512xf32, #tpu.memory_space<vmem>>, vector<16xf32>,
    %get3A_317 = arith.constant 32 : index
    %get3A_318 = tpu.vector_load %arg15[%get3A_317] {strides = array<i32>} : memref<512xf32, #tpu.memory_space<vmem>>, vector<16xf32>,
    %get3A_319 = arith.constant 32 : index
    %get3A_320 = tpu.vector_load %arg13[%get3A_319] {strides = array<i32>} : memref<512xf32, #tpu.memory_space<vmem>>, vector<16xf32>,
    %add3A_321 = arith.addf %get3A_318, %get3A_320 : vector<16xf32>
    %get3A_322 = arith.constant 32 : index
    %get3A_323 = tpu.vector_load %arg14[%get3A_322] {strides = array<i32>} : memref<512xf32, #tpu.memory_space<vmem>>, vector<16xf32>,
    %add3A_324 = arith.addf %add3A_321, %get3A_323 : vector<16xf32>
    %swap3A_325 = arith.constant 32 : index
    %swap3A_326 = tpu.vector_load %arg15[%swap3A_325] {strides = array<i32>} : memref<512xf32, #tpu.memory_space<vmem>>, vector<16xf32>,
    tpu.vector_store %arg15[%swap3A_325], %add3A_324 {strides = array<i32>} : memref<512xf32, #tpu.memory_space<vmem>>, vector<16xf32>,
    %get3A_327 = arith.constant 48 : index
    %get3A_328 = tpu.vector_load %arg15[%get3A_327] {strides = array<i32>} : memref<512xf32, #tpu.memory_space<vmem>>, vector<16xf32>,
    %get3A_329 = arith.constant 48 : index
    %get3A_330 = tpu.vector_load %arg13[%get3A_329] {strides = array<i32>} : memref<512xf32, #tpu.memory_space<vmem>>, vector<16xf32>,
    %add3A_331 = arith.addf %get3A_328, %get3A_330 : vector<16xf32>
    %get3A_332 = arith.constant 48 : index
    %get3A_333 = tpu.vector_load %arg14[%get3A_332] {strides = array<i32>} : memref<512xf32, #tpu.memory_space<vmem>>, vector<16xf32>,
    %add3A_334 = arith.addf %add3A_331, %get3A_333 : vector<16xf32>
    %swap3A_335 = arith.constant 48 : index
    %swap3A_336 = tpu.vector_load %arg15[%swap3A_335] {strides = array<i32>} : memref<512xf32, #tpu.memory_space<vmem>>, vector<16xf32>,
    tpu.vector_store %arg15[%swap3A_335], %add3A_334 {strides = array<i32>} : memref<512xf32, #tpu.memory_space<vmem>>, vector<16xf32>,
    %get3A_337 = arith.constant 64 : index
    %get3A_338 = tpu.vector_load %arg15[%get3A_337] {strides = array<i32>} : memref<512xf32, #tpu.memory_space<vmem>>, vector<16xf32>,
    %get3A_339 = arith.constant 64 : index
    %get3A_340 = tpu.vector_load %arg13[%get3A_339] {strides = array<i32>} : memref<512xf32, #tpu.memory_space<vmem>>, vector<16xf32>,
    %add3A_341 = arith.addf %get3A_338, %get3A_340 : vector<16xf32>
    %get3A_342 = arith.constant 64 : index
    %get3A_343 = tpu.vector_load %arg14[%get3A_342] {strides = array<i32>} : memref<512xf32, #tpu.memory_space<vmem>>, vector<16xf32>,
    %add3A_344 = arith.addf %add3A_341, %get3A_343 : vector<16xf32>
    %swap3A_345 = arith.constant 64 : index
    %swap3A_346 = tpu.vector_load %arg15[%swap3A_345] {strides = array<i32>} : memref<512xf32, #tpu.memory_space<vmem>>, vector<16xf32>,
    tpu.vector_store %arg15[%swap3A_345], %add3A_344 {strides = array<i32>} : memref<512xf32, #tpu.memory_space<vmem>>, vector<16xf32>,
    %get3A_347 = arith.constant 80 : index
    %get3A_348 = tpu.vector_load %arg15[%get3A_347] {strides = array<i32>} : memref<512xf32, #tpu.memory_space<vmem>>, vector<16xf32>,
    %get3A_349 = arith.constant 80 : index
    %get3A_350 = tpu.vector_load %arg13[%get3A_349] {strides = array<i32>} : memref<512xf32, #tpu.memory_space<vmem>>, vector<16xf32>,
    %add3A_351 = arith.addf %get3A_348, %get3A_350 : vector<16xf32>
    %get3A_352 = arith.constant 80 : index
    %get3A_353 = tpu.vector_load %arg14[%get3A_352] {strides = array<i32>} : memref<512xf32, #tpu.memory_space<vmem>>, vector<16xf32>,
    %add3A_354 = arith.addf %add3A_351, %get3A_353 : vector<16xf32>
    %swap3A_355 = arith.constant 80 : index
    %swap3A_356 = tpu.vector_load %arg15[%swap3A_355] {strides = array<i32>} : memref<512xf32, #tpu.memory_space<vmem>>, vector<16xf32>,
    tpu.vector_store %arg15[%swap3A_355], %add3A_354 {strides = array<i32>} : memref<512xf32, #tpu.memory_space<vmem>>, vector<16xf32>,
    %get3A_357 = arith.constant 96 : index
    %get3A_358 = tpu.vector_load %arg15[%get3A_357] {strides = array<i32>} : memref<512xf32, #tpu.memory_space<vmem>>, vector<16xf32>,
    %get3A_359 = arith.constant 96 : index
    %get3A_360 = tpu.vector_load %arg13[%get3A_359] {strides = array<i32>} : memref<512xf32, #tpu.memory_space<vmem>>, vector<16xf32>,
    %add3A_361 = arith.addf %get3A_358, %get3A_360 : vector<16xf32>
    %get3A_362 = arith.constant 96 : index
    %get3A_363 = tpu.vector_load %arg14[%get3A_362] {strides = array<i32>} : memref<512xf32, #tpu.memory_space<vmem>>, vector<16xf32>,
    %add3A_364 = arith.addf %add3A_361, %get3A_363 : vector<16xf32>
    %swap3A_365 = arith.constant 96 : index
    %swap3A_366 = tpu.vector_load %arg15[%swap3A_365] {strides = array<i32>} : memref<512xf32, #tpu.memory_space<vmem>>, vector<16xf32>,
    tpu.vector_store %arg15[%swap3A_365], %add3A_364 {strides = array<i32>} : memref<512xf32, #tpu.memory_space<vmem>>, vector<16xf32>,
    %get3A_367 = arith.constant 112 : index
    %get3A_368 = tpu.vector_load %arg15[%get3A_367] {strides = array<i32>} : memref<512xf32, #tpu.memory_space<vmem>>, vector<16xf32>,
    %get3A_369 = arith.constant 112 : index
    %get3A_370 = tpu.vector_load %arg13[%get3A_369] {strides = array<i32>} : memref<512xf32, #tpu.memory_space<vmem>>, vector<16xf32>,
    %add3A_371 = arith.addf %get3A_368, %get3A_370 : vector<16xf32>
    %get3A_372 = arith.constant 112 : index
    %get3A_373 = tpu.vector_load %arg14[%get3A_372] {strides = array<i32>} : memref<512xf32, #tpu.memory_space<vmem>>, vector<16xf32>,
    %add3A_374 = arith.addf %add3A_371, %get3A_373 : vector<16xf32>
    %swap3A_375 = arith.constant 112 : index
    %swap3A_376 = tpu.vector_load %arg15[%swap3A_375] {strides = array<i32>} : memref<512xf32, #tpu.memory_space<vmem>>, vector<16xf32>,
    tpu.vector_store %arg15[%swap3A_375], %add3A_374 {strides = array<i32>} : memref<512xf32, #tpu.memory_space<vmem>>, vector<16xf32>,
    %get3A_377 = arith.constant 128 : index
    %get3A_378 = tpu.vector_load %arg15[%get3A_377] {strides = array<i32>} : memref<512xf32, #tpu.memory_space<vmem>>, vector<16xf32>,
    %get3A_379 = arith.constant 128 : index
    %get3A_380 = tpu.vector_load %arg13[%get3A_379] {strides = array<i32>} : memref<512xf32, #tpu.memory_space<vmem>>, vector<16xf32>,
    %add3A_381 = arith.addf %get3A_378, %get3A_380 : vector<16xf32>
    %get3A_382 = arith.constant 128 : index
    %get3A_383 = tpu.vector_load %arg14[%get3A_382] {strides = array<i32>} : memref<512xf32, #tpu.memory_space<vmem>>, vector<16xf32>,
    %add3A_384 = arith.addf %add3A_381, %get3A_383 : vector<16xf32>
    %swap3A_385 = arith.constant 128 : index
    %swap3A_386 = tpu.vector_load %arg15[%swap3A_385] {strides = array<i32>} : memref<512xf32, #tpu.memory_space<vmem>>, vector<16xf32>,
    tpu.vector_store %arg15[%swap3A_385], %add3A_384 {strides = array<i32>} : memref<512xf32, #tpu.memory_space<vmem>>, vector<16xf32>,
    %get3A_387 = arith.constant 144 : index
    %get3A_388 = tpu.vector_load %arg15[%get3A_387] {strides = array<i32>} : memref<512xf32, #tpu.memory_space<vmem>>, vector<16xf32>,
    %get3A_389 = arith.constant 144 : index
    %get3A_390 = tpu.vector_load %arg13[%get3A_389] {strides = array<i32>} : memref<512xf32, #tpu.memory_space<vmem>>, vector<16xf32>,
    %add3A_391 = arith.addf %get3A_388, %get3A_390 : vector<16xf32>
    %get3A_392 = arith.constant 144 : index
    %get3A_393 = tpu.vector_load %arg14[%get3A_392] {strides = array<i32>} : memref<512xf32, #tpu.memory_space<vmem>>, vector<16xf32>,
    %add3A_394 = arith.addf %add3A_391, %get3A_393 : vector<16xf32>
    %swap3A_395 = arith.constant 144 : index
    %swap3A_396 = tpu.vector_load %arg15[%swap3A_395] {strides = array<i32>} : memref<512xf32, #tpu.memory_space<vmem>>, vector<16xf32>,
    tpu.vector_store %arg15[%swap3A_395], %add3A_394 {strides = array<i32>} : memref<512xf32, #tpu.memory_space<vmem>>, vector<16xf32>,
    %get3A_397 = arith.constant 160 : index
    %get3A_398 = tpu.vector_load %arg15[%get3A_397] {strides = array<i32>} : memref<512xf32, #tpu.memory_space<vmem>>, vector<16xf32>,
    %get3A_399 = arith.constant 160 : index
    %get3A_400 = tpu.vector_load %arg13[%get3A_399] {strides = array<i32>} : memref<512xf32, #tpu.memory_space<vmem>>, vector<16xf32>,
    %add3A_401 = arith.addf %get3A_398, %get3A_400 : vector<16xf32>
    %get3A_402 = arith.constant 160 : index
    %get3A_403 = tpu.vector_load %arg14[%get3A_402] {strides = array<i32>} : memref<512xf32, #tpu.memory_space<vmem>>, vector<16xf32>,
    %add3A_404 = arith.addf %add3A_401, %get3A_403 : vector<16xf32>
    %swap3A_405 = arith.constant 160 : index
    %swap3A_406 = tpu.vector_load %arg15[%swap3A_405] {strides = array<i32>} : memref<512xf32, #tpu.memory_space<vmem>>, vector<16xf32>,
    tpu.vector_store %arg15[%swap3A_405], %add3A_404 {strides = array<i32>} : memref<512xf32, #tpu.memory_space<vmem>>, vector<16xf32>,
    %get3A_407 = arith.constant 176 : index
    %get3A_408 = tpu.vector_load %arg15[%get3A_407] {strides = array<i32>} : memref<512xf32, #tpu.memory_space<vmem>>, vector<16xf32>,
    %get3A_409 = arith.constant 176 : index
    %get3A_410 = tpu.vector_load %arg13[%get3A_409] {strides = array<i32>} : memref<512xf32, #tpu.memory_space<vmem>>, vector<16xf32>,
    %add3A_411 = arith.addf %get3A_408, %get3A_410 : vector<16xf32>
    %get3A_412 = arith.constant 176 : index
    %get3A_413 = tpu.vector_load %arg14[%get3A_412] {strides = array<i32>} : memref<512xf32, #tpu.memory_space<vmem>>, vector<16xf32>,
    %add3A_414 = arith.addf %add3A_411, %get3A_413 : vector<16xf32>
    %swap3A_415 = arith.constant 176 : index
    %swap3A_416 = tpu.vector_load %arg15[%swap3A_415] {strides = array<i32>} : memref<512xf32, #tpu.memory_space<vmem>>, vector<16xf32>,
    tpu.vector_store %arg15[%swap3A_415], %add3A_414 {strides = array<i32>} : memref<512xf32, #tpu.memory_space<vmem>>, vector<16xf32>,
    %get3A_417 = arith.constant 192 : index
    %get3A_418 = tpu.vector_load %arg15[%get3A_417] {strides = array<i32>} : memref<512xf32, #tpu.memory_space<vmem>>, vector<16xf32>,
    %get3A_419 = arith.constant 192 : index
    %get3A_420 = tpu.vector_load %arg13[%get3A_419] {strides = array<i32>} : memref<512xf32, #tpu.memory_space<vmem>>, vector<16xf32>,
    %add3A_421 = arith.addf %get3A_418, %get3A_420 : vector<16xf32>
    %get3A_422 = arith.constant 192 : index
    %get3A_423 = tpu.vector_load %arg14[%get3A_422] {strides = array<i32>} : memref<512xf32, #tpu.memory_space<vmem>>, vector<16xf32>,
    %add3A_424 = arith.addf %add3A_421, %get3A_423 : vector<16xf32>
    %swap3A_425 = arith.constant 192 : index
    %swap3A_426 = tpu.vector_load %arg15[%swap3A_425] {strides = array<i32>} : memref<512xf32, #tpu.memory_space<vmem>>, vector<16xf32>,
    tpu.vector_store %arg15[%swap3A_425], %add3A_424 {strides = array<i32>} : memref<512xf32, #tpu.memory_space<vmem>>, vector<16xf32>,
    %get3A_427 = arith.constant 208 : index
    %get3A_428 = tpu.vector_load %arg15[%get3A_427] {strides = array<i32>} : memref<512xf32, #tpu.memory_space<vmem>>, vector<16xf32>,
    %get3A_429 = arith.constant 208 : index
    %get3A_430 = tpu.vector_load %arg13[%get3A_429] {strides = array<i32>} : memref<512xf32, #tpu.memory_space<vmem>>, vector<16xf32>,
    %add3A_431 = arith.addf %get3A_428, %get3A_430 : vector<16xf32>
    %get3A_432 = arith.constant 208 : index
    %get3A_433 = tpu.vector_load %arg14[%get3A_432] {strides = array<i32>} : memref<512xf32, #tpu.memory_space<vmem>>, vector<16xf32>,
    %add3A_434 = arith.addf %add3A_431, %get3A_433 : vector<16xf32>
    %swap3A_435 = arith.constant 208 : index
    %swap3A_436 = tpu.vector_load %arg15[%swap3A_435] {strides = array<i32>} : memref<512xf32, #tpu.memory_space<vmem>>, vector<16xf32>,
    tpu.vector_store %arg15[%swap3A_435], %add3A_434 {strides = array<i32>} : memref<512xf32, #tpu.memory_space<vmem>>, vector<16xf32>,
    %get3A_437 = arith.constant 224 : index
    %get3A_438 = tpu.vector_load %arg15[%get3A_437] {strides = array<i32>} : memref<512xf32, #tpu.memory_space<vmem>>, vector<16xf32>,
    %get3A_439 = arith.constant 224 : index
    %get3A_440 = tpu.vector_load %arg13[%get3A_439] {strides = array<i32>} : memref<512xf32, #tpu.memory_space<vmem>>, vector<16xf32>,
    %add3A_441 = arith.addf %get3A_438, %get3A_440 : vector<16xf32>
    %get3A_442 = arith.constant 224 : index
    %get3A_443 = tpu.vector_load %arg14[%get3A_442] {strides = array<i32>} : memref<512xf32, #tpu.memory_space<vmem>>, vector<16xf32>,
    %add3A_444 = arith.addf %add3A_441, %get3A_443 : vector<16xf32>
    %swap3A_445 = arith.constant 224 : index
    %swap3A_446 = tpu.vector_load %arg15[%swap3A_445] {strides = array<i32>} : memref<512xf32, #tpu.memory_space<vmem>>, vector<16xf32>,
    tpu.vector_store %arg15[%swap3A_445], %add3A_444 {strides = array<i32>} : memref<512xf32, #tpu.memory_space<vmem>>, vector<16xf32>,
    %get3A_447 = arith.constant 240 : index
    %get3A_448 = tpu.vector_load %arg15[%get3A_447] {strides = array<i32>} : memref<512xf32, #tpu.memory_space<vmem>>, vector<16xf32>,
    %get3A_449 = arith.constant 240 : index
    %get3A_450 = tpu.vector_load %arg13[%get3A_449] {strides = array<i32>} : memref<512xf32, #tpu.memory_space<vmem>>, vector<16xf32>,
    %add3A_451 = arith.addf %get3A_448, %get3A_450 : vector<16xf32>
    %get3A_452 = arith.constant 240 : index
    %get3A_453 = tpu.vector_load %arg14[%get3A_452] {strides = array<i32>} : memref<512xf32, #tpu.memory_space<vmem>>, vector<16xf32>,
    %add3A_454 = arith.addf %add3A_451, %get3A_453 : vector<16xf32>
    %swap3A_455 = arith.constant 240 : index
    %swap3A_456 = tpu.vector_load %arg15[%swap3A_455] {strides = array<i32>} : memref<512xf32, #tpu.memory_space<vmem>>, vector<16xf32>,
    tpu.vector_store %arg15[%swap3A_455], %add3A_454 {strides = array<i32>} : memref<512xf32, #tpu.memory_space<vmem>>, vector<16xf32>,
    %get3A_457 = arith.constant 256 : index
    %get3A_458 = tpu.vector_load %arg15[%get3A_457] {strides = array<i32>} : memref<512xf32, #tpu.memory_space<vmem>>, vector<16xf32>,
    %get3A_459 = arith.constant 256 : index
    %get3A_460 = tpu.vector_load %arg13[%get3A_459] {strides = array<i32>} : memref<512xf32, #tpu.memory_space<vmem>>, vector<16xf32>,
    %add3A_461 = arith.addf %get3A_458, %get3A_460 : vector<16xf32>
    %get3A_462 = arith.constant 256 : index
    %get3A_463 = tpu.vector_load %arg14[%get3A_462] {strides = array<i32>} : memref<512xf32, #tpu.memory_space<vmem>>, vector<16xf32>,
    %add3A_464 = arith.addf %add3A_461, %get3A_463 : vector<16xf32>
    %swap3A_465 = arith.constant 256 : index
    %swap3A_466 = tpu.vector_load %arg15[%swap3A_465] {strides = array<i32>} : memref<512xf32, #tpu.memory_space<vmem>>, vector<16xf32>,
    tpu.vector_store %arg15[%swap3A_465], %add3A_464 {strides = array<i32>} : memref<512xf32, #tpu.memory_space<vmem>>, vector<16xf32>,
    %get3A_467 = arith.constant 272 : index
    %get3A_468 = tpu.vector_load %arg15[%get3A_467] {strides = array<i32>} : memref<512xf32, #tpu.memory_space<vmem>>, vector<16xf32>,
    %get3A_469 = arith.constant 272 : index
    %get3A_470 = tpu.vector_load %arg13[%get3A_469] {strides = array<i32>} : memref<512xf32, #tpu.memory_space<vmem>>, vector<16xf32>,
    %add3A_471 = arith.addf %get3A_468, %get3A_470 : vector<16xf32>
    %get3A_472 = arith.constant 272 : index
    %get3A_473 = tpu.vector_load %arg14[%get3A_472] {strides = array<i32>} : memref<512xf32, #tpu.memory_space<vmem>>, vector<16xf32>,
    %add3A_474 = arith.addf %add3A_471, %get3A_473 : vector<16xf32>
    %swap3A_475 = arith.constant 272 : index
    %swap3A_476 = tpu.vector_load %arg15[%swap3A_475] {strides = array<i32>} : memref<512xf32, #tpu.memory_space<vmem>>, vector<16xf32>,
    tpu.vector_store %arg15[%swap3A_475], %add3A_474 {strides = array<i32>} : memref<512xf32, #tpu.memory_space<vmem>>, vector<16xf32>,
    %get3A_477 = arith.constant 288 : index
    %get3A_478 = tpu.vector_load %arg15[%get3A_477] {strides = array<i32>} : memref<512xf32, #tpu.memory_space<vmem>>, vector<16xf32>,
    %get3A_479 = arith.constant 288 : index
    %get3A_480 = tpu.vector_load %arg13[%get3A_479] {strides = array<i32>} : memref<512xf32, #tpu.memory_space<vmem>>, vector<16xf32>,
    %add3A_481 = arith.addf %get3A_478, %get3A_480 : vector<16xf32>
    %get3A_482 = arith.constant 288 : index
    %get3A_483 = tpu.vector_load %arg14[%get3A_482] {strides = array<i32>} : memref<512xf32, #tpu.memory_space<vmem>>, vector<16xf32>,
    %add3A_484 = arith.addf %add3A_481, %get3A_483 : vector<16xf32>
    %swap3A_485 = arith.constant 288 : index
    %swap3A_486 = tpu.vector_load %arg15[%swap3A_485] {strides = array<i32>} : memref<512xf32, #tpu.memory_space<vmem>>, vector<16xf32>,
    tpu.vector_store %arg15[%swap3A_485], %add3A_484 {strides = array<i32>} : memref<512xf32, #tpu.memory_space<vmem>>, vector<16xf32>,
    %get3A_487 = arith.constant 304 : index
    %get3A_488 = tpu.vector_load %arg15[%get3A_487] {strides = array<i32>} : memref<512xf32, #tpu.memory_space<vmem>>, vector<16xf32>,
    %get3A_489 = arith.constant 304 : index
    %get3A_490 = tpu.vector_load %arg13[%get3A_489] {strides = array<i32>} : memref<512xf32, #tpu.memory_space<vmem>>, vector<16xf32>,
    %add3A_491 = arith.addf %get3A_488, %get3A_490 : vector<16xf32>
    %get3A_492 = arith.constant 304 : index
    %get3A_493 = tpu.vector_load %arg14[%get3A_492] {strides = array<i32>} : memref<512xf32, #tpu.memory_space<vmem>>, vector<16xf32>,
    %add3A_494 = arith.addf %add3A_491, %get3A_493 : vector<16xf32>
    %swap3A_495 = arith.constant 304 : index
    %swap3A_496 = tpu.vector_load %arg15[%swap3A_495] {strides = array<i32>} : memref<512xf32, #tpu.memory_space<vmem>>, vector<16xf32>,
    tpu.vector_store %arg15[%swap3A_495], %add3A_494 {strides = array<i32>} : memref<512xf32, #tpu.memory_space<vmem>>, vector<16xf32>,
    %get3A_497 = arith.constant 320 : index
    %get3A_498 = tpu.vector_load %arg15[%get3A_497] {strides = array<i32>} : memref<512xf32, #tpu.memory_space<vmem>>, vector<16xf32>,
    %get3A_499 = arith.constant 320 : index
    %get3A_500 = tpu.vector_load %arg13[%get3A_499] {strides = array<i32>} : memref<512xf32, #tpu.memory_space<vmem>>, vector<16xf32>,
    %add3A_501 = arith.addf %get3A_498, %get3A_500 : vector<16xf32>
    %get3A_502 = arith.constant 320 : index
    %get3A_503 = tpu.vector_load %arg14[%get3A_502] {strides = array<i32>} : memref<512xf32, #tpu.memory_space<vmem>>, vector<16xf32>,
    %add3A_504 = arith.addf %add3A_501, %get3A_503 : vector<16xf32>
    %swap3A_505 = arith.constant 320 : index
    %swap3A_506 = tpu.vector_load %arg15[%swap3A_505] {strides = array<i32>} : memref<512xf32, #tpu.memory_space<vmem>>, vector<16xf32>,
    tpu.vector_store %arg15[%swap3A_505], %add3A_504 {strides = array<i32>} : memref<512xf32, #tpu.memory_space<vmem>>, vector<16xf32>,
    %get3A_507 = arith.constant 336 : index
    %get3A_508 = tpu.vector_load %arg15[%get3A_507] {strides = array<i32>} : memref<512xf32, #tpu.memory_space<vmem>>, vector<16xf32>,
    %get3A_509 = arith.constant 336 : index
    %get3A_510 = tpu.vector_load %arg13[%get3A_509] {strides = array<i32>} : memref<512xf32, #tpu.memory_space<vmem>>, vector<16xf32>,
    %add3A_511 = arith.addf %get3A_508, %get3A_510 : vector<16xf32>
    %get3A_512 = arith.constant 336 : index
    %get3A_513 = tpu.vector_load %arg14[%get3A_512] {strides = array<i32>} : memref<512xf32, #tpu.memory_space<vmem>>, vector<16xf32>,
    %add3A_514 = arith.addf %add3A_511, %get3A_513 : vector<16xf32>
    %swap3A_515 = arith.constant 336 : index
    %swap3A_516 = tpu.vector_load %arg15[%swap3A_515] {strides = array<i32>} : memref<512xf32, #tpu.memory_space<vmem>>, vector<16xf32>,
    tpu.vector_store %arg15[%swap3A_515], %add3A_514 {strides = array<i32>} : memref<512xf32, #tpu.memory_space<vmem>>, vector<16xf32>,
    %get3A_517 = arith.constant 352 : index
    %get3A_518 = tpu.vector_load %arg15[%get3A_517] {strides = array<i32>} : memref<512xf32, #tpu.memory_space<vmem>>, vector<16xf32>,
    %get3A_519 = arith.constant 352 : index
    %get3A_520 = tpu.vector_load %arg13[%get3A_519] {strides = array<i32>} : memref<512xf32, #tpu.memory_space<vmem>>, vector<16xf32>,
    %add3A_521 = arith.addf %get3A_518, %get3A_520 : vector<16xf32>
    %get3A_522 = arith.constant 352 : index
    %get3A_523 = tpu.vector_load %arg14[%get3A_522] {strides = array<i32>} : memref<512xf32, #tpu.memory_space<vmem>>, vector<16xf32>,
    %add3A_524 = arith.addf %add3A_521, %get3A_523 : vector<16xf32>
    %swap3A_525 = arith.constant 352 : index
    %swap3A_526 = tpu.vector_load %arg15[%swap3A_525] {strides = array<i32>} : memref<512xf32, #tpu.memory_space<vmem>>, vector<16xf32>,
    tpu.vector_store %arg15[%swap3A_525], %add3A_524 {strides = array<i32>} : memref<512xf32, #tpu.memory_space<vmem>>, vector<16xf32>,
    %get3A_527 = arith.constant 368 : index
    %get3A_528 = tpu.vector_load %arg15[%get3A_527] {strides = array<i32>} : memref<512xf32, #tpu.memory_space<vmem>>, vector<16xf32>,
    %get3A_529 = arith.constant 368 : index
    %get3A_530 = tpu.vector_load %arg13[%get3A_529] {strides = array<i32>} : memref<512xf32, #tpu.memory_space<vmem>>, vector<16xf32>,
    %add3A_531 = arith.addf %get3A_528, %get3A_530 : vector<16xf32>
    %get3A_532 = arith.constant 368 : index
    %get3A_533 = tpu.vector_load %arg14[%get3A_532] {strides = array<i32>} : memref<512xf32, #tpu.memory_space<vmem>>, vector<16xf32>,
    %add3A_534 = arith.addf %add3A_531, %get3A_533 : vector<16xf32>
    %swap3A_535 = arith.constant 368 : index
    %swap3A_536 = tpu.vector_load %arg15[%swap3A_535] {strides = array<i32>} : memref<512xf32, #tpu.memory_space<vmem>>, vector<16xf32>,
    tpu.vector_store %arg15[%swap3A_535], %add3A_534 {strides = array<i32>} : memref<512xf32, #tpu.memory_space<vmem>>, vector<16xf32>,
    %get3A_537 = arith.constant 384 : index
    %get3A_538 = tpu.vector_load %arg15[%get3A_537] {strides = array<i32>} : memref<512xf32, #tpu.memory_space<vmem>>, vector<16xf32>,
    %get3A_539 = arith.constant 384 : index
    %get3A_540 = tpu.vector_load %arg13[%get3A_539] {strides = array<i32>} : memref<512xf32, #tpu.memory_space<vmem>>, vector<16xf32>,
    %add3A_541 = arith.addf %get3A_538, %get3A_540 : vector<16xf32>
    %get3A_542 = arith.constant 384 : index
    %get3A_543 = tpu.vector_load %arg14[%get3A_542] {strides = array<i32>} : memref<512xf32, #tpu.memory_space<vmem>>, vector<16xf32>,
    %add3A_544 = arith.addf %add3A_541, %get3A_543 : vector<16xf32>
    %swap3A_545 = arith.constant 384 : index
    %swap3A_546 = tpu.vector_load %arg15[%swap3A_545] {strides = array<i32>} : memref<512xf32, #tpu.memory_space<vmem>>, vector<16xf32>,
    tpu.vector_store %arg15[%swap3A_545], %add3A_544 {strides = array<i32>} : memref<512xf32, #tpu.memory_space<vmem>>, vector<16xf32>,
    %get3A_547 = arith.constant 400 : index
    %get3A_548 = tpu.vector_load %arg15[%get3A_547] {strides = array<i32>} : memref<512xf32, #tpu.memory_space<vmem>>, vector<16xf32>,
    %get3A_549 = arith.constant 400 : index
    %get3A_550 = tpu.vector_load %arg13[%get3A_549] {strides = array<i32>} : memref<512xf32, #tpu.memory_space<vmem>>, vector<16xf32>,
    %add3A_551 = arith.addf %get3A_548, %get3A_550 : vector<16xf32>
    %get3A_552 = arith.constant 400 : index
    %get3A_553 = tpu.vector_load %arg14[%get3A_552] {strides = array<i32>} : memref<512xf32, #tpu.memory_space<vmem>>, vector<16xf32>,
    %add3A_554 = arith.addf %add3A_551, %get3A_553 : vector<16xf32>
    %swap3A_555 = arith.constant 400 : index
    %swap3A_556 = tpu.vector_load %arg15[%swap3A_555] {strides = array<i32>} : memref<512xf32, #tpu.memory_space<vmem>>, vector<16xf32>,
    tpu.vector_store %arg15[%swap3A_555], %add3A_554 {strides = array<i32>} : memref<512xf32, #tpu.memory_space<vmem>>, vector<16xf32>,
    %get3A_557 = arith.constant 416 : index
    %get3A_558 = tpu.vector_load %arg15[%get3A_557] {strides = array<i32>} : memref<512xf32, #tpu.memory_space<vmem>>, vector<16xf32>,
    %get3A_559 = arith.constant 416 : index
    %get3A_560 = tpu.vector_load %arg13[%get3A_559] {strides = array<i32>} : memref<512xf32, #tpu.memory_space<vmem>>, vector<16xf32>,
    %add3A_561 = arith.addf %get3A_558, %get3A_560 : vector<16xf32>
    %get3A_562 = arith.constant 416 : index
    %get3A_563 = tpu.vector_load %arg14[%get3A_562] {strides = array<i32>} : memref<512xf32, #tpu.memory_space<vmem>>, vector<16xf32>,
    %add3A_564 = arith.addf %add3A_561, %get3A_563 : vector<16xf32>
    %swap3A_565 = arith.constant 416 : index
    %swap3A_566 = tpu.vector_load %arg15[%swap3A_565] {strides = array<i32>} : memref<512xf32, #tpu.memory_space<vmem>>, vector<16xf32>,
    tpu.vector_store %arg15[%swap3A_565], %add3A_564 {strides = array<i32>} : memref<512xf32, #tpu.memory_space<vmem>>, vector<16xf32>,
    %get3A_567 = arith.constant 432 : index
    %get3A_568 = tpu.vector_load %arg15[%get3A_567] {strides = array<i32>} : memref<512xf32, #tpu.memory_space<vmem>>, vector<16xf32>,
    %get3A_569 = arith.constant 432 : index
    %get3A_570 = tpu.vector_load %arg13[%get3A_569] {strides = array<i32>} : memref<512xf32, #tpu.memory_space<vmem>>, vector<16xf32>,
    %add3A_571 = arith.addf %get3A_568, %get3A_570 : vector<16xf32>
    %get3A_572 = arith.constant 432 : index
    %get3A_573 = tpu.vector_load %arg14[%get3A_572] {strides = array<i32>} : memref<512xf32, #tpu.memory_space<vmem>>, vector<16xf32>,
    %add3A_574 = arith.addf %add3A_571, %get3A_573 : vector<16xf32>
    %swap3A_575 = arith.constant 432 : index
    %swap3A_576 = tpu.vector_load %arg15[%swap3A_575] {strides = array<i32>} : memref<512xf32, #tpu.memory_space<vmem>>, vector<16xf32>,
    tpu.vector_store %arg15[%swap3A_575], %add3A_574 {strides = array<i32>} : memref<512xf32, #tpu.memory_space<vmem>>, vector<16xf32>,
    %get3A_577 = arith.constant 448 : index
    %get3A_578 = tpu.vector_load %arg15[%get3A_577] {strides = array<i32>} : memref<512xf32, #tpu.memory_space<vmem>>, vector<16xf32>,
    %get3A_579 = arith.constant 448 : index
    %get3A_580 = tpu.vector_load %arg13[%get3A_579] {strides = array<i32>} : memref<512xf32, #tpu.memory_space<vmem>>, vector<16xf32>,
    %add3A_581 = arith.addf %get3A_578, %get3A_580 : vector<16xf32>
    %get3A_582 = arith.constant 448 : index
    %get3A_583 = tpu.vector_load %arg14[%get3A_582] {strides = array<i32>} : memref<512xf32, #tpu.memory_space<vmem>>, vector<16xf32>,
    %add3A_584 = arith.addf %add3A_581, %get3A_583 : vector<16xf32>
    %swap3A_585 = arith.constant 448 : index
    %swap3A_586 = tpu.vector_load %arg15[%swap3A_585] {strides = array<i32>} : memref<512xf32, #tpu.memory_space<vmem>>, vector<16xf32>,
    tpu.vector_store %arg15[%swap3A_585], %add3A_584 {strides = array<i32>} : memref<512xf32, #tpu.memory_space<vmem>>, vector<16xf32>,
    %get3A_587 = arith.constant 464 : index
    %get3A_588 = tpu.vector_load %arg15[%get3A_587] {strides = array<i32>} : memref<512xf32, #tpu.memory_space<vmem>>, vector<16xf32>,
    %get3A_589 = arith.constant 464 : index
    %get3A_590 = tpu.vector_load %arg13[%get3A_589] {strides = array<i32>} : memref<512xf32, #tpu.memory_space<vmem>>, vector<16xf32>,
    %add3A_591 = arith.addf %get3A_588, %get3A_590 : vector<16xf32>
    %get3A_592 = arith.constant 464 : index
    %get3A_593 = tpu.vector_load %arg14[%get3A_592] {strides = array<i32>} : memref<512xf32, #tpu.memory_space<vmem>>, vector<16xf32>,
    %add3A_594 = arith.addf %add3A_591, %get3A_593 : vector<16xf32>
    %swap3A_595 = arith.constant 464 : index
    %swap3A_596 = tpu.vector_load %arg15[%swap3A_595] {strides = array<i32>} : memref<512xf32, #tpu.memory_space<vmem>>, vector<16xf32>,
    tpu.vector_store %arg15[%swap3A_595], %add3A_594 {strides = array<i32>} : memref<512xf32, #tpu.memory_space<vmem>>, vector<16xf32>,
    %get3A_597 = arith.constant 480 : index
    %get3A_598 = tpu.vector_load %arg15[%get3A_597] {strides = array<i32>} : memref<512xf32, #tpu.memory_space<vmem>>, vector<16xf32>,
    %get3A_599 = arith.constant 480 : index
    %get3A_600 = tpu.vector_load %arg13[%get3A_599] {strides = array<i32>} : memref<512xf32, #tpu.memory_space<vmem>>, vector<16xf32>,
    %add3A_601 = arith.addf %get3A_598, %get3A_600 : vector<16xf32>
    %get3A_602 = arith.constant 480 : index
    %get3A_603 = tpu.vector_load %arg14[%get3A_602] {strides = array<i32>} : memref<512xf32, #tpu.memory_space<vmem>>, vector<16xf32>,
    %add3A_604 = arith.addf %add3A_601, %get3A_603 : vector<16xf32>
    %swap3A_605 = arith.constant 480 : index
    %swap3A_606 = tpu.vector_load %arg15[%swap3A_605] {strides = array<i32>} : memref<512xf32, #tpu.memory_space<vmem>>, vector<16xf32>,
    tpu.vector_store %arg15[%swap3A_605], %add3A_604 {strides = array<i32>} : memref<512xf32, #tpu.memory_space<vmem>>, vector<16xf32>,
    %get3A_607 = arith.constant 496 : index
    %get3A_608 = tpu.vector_load %arg15[%get3A_607] {strides = array<i32>} : memref<512xf32, #tpu.memory_space<vmem>>, vector<16xf32>,
    %get3A_609 = arith.constant 496 : index
    %get3A_610 = tpu.vector_load %arg13[%get3A_609] {strides = array<i32>} : memref<512xf32, #tpu.memory_space<vmem>>, vector<16xf32>,
    %add3A_611 = arith.addf %get3A_608, %get3A_610 : vector<16xf32>
    %get3A_612 = arith.constant 496 : index
    %get3A_613 = tpu.vector_load %arg14[%get3A_612] {strides = array<i32>} : memref<512xf32, #tpu.memory_space<vmem>>, vector<16xf32>,
    %add3A_614 = arith.addf %add3A_611, %get3A_613 : vector<16xf32>
    %swap3A_615 = arith.constant 496 : index
    %swap3A_616 = tpu.vector_load %arg15[%swap3A_615] {strides = array<i32>} : memref<512xf32, #tpu.memory_space<vmem>>, vector<16xf32>,
    tpu.vector_store %arg15[%swap3A_615], %add3A_614 {strides = array<i32>} : memref<512xf32, #tpu.memory_space<vmem>>, vector<16xf32>,
    "tpu.region"() ({
      %run_scoped3A = tpu.sem_alloc : memref<!tpu.dma_semaphore, #tpu.memory_space<semaphore_mem>>
      %dma_start3A_617 = tpu.memref_slice %arg8[%multiple_of3A] : memref<16384xf32, #tpu.memory_space<hbm>> -> memref<512xf32, #tpu.memory_space<hbm>>
      %dma_start3A_618 = tpu.memref_slice %arg8[%multiple_of3A] : memref<16384xf32, #tpu.memory_space<hbm>> -> memref<512xf32, #tpu.memory_space<hbm>>
      tpu.enqueue_dma source(%arg15 : memref<512xf32, #tpu.memory_space<vmem>>) target(%dma_start3A_618 : memref<512xf32, #tpu.memory_space<hbm>>) target_semaphore(%run_scoped3A : memref<!tpu.dma_semaphore, #tpu.memory_space<semaphore_mem>>)
      %dma_wait3A_619 = tpu.memref_slice %arg8[%multiple_of3A] : memref<16384xf32, #tpu.memory_space<hbm>> -> memref<512xf32, #tpu.memory_space<hbm>>
      %dma_wait3A_620 = tpu.memref_slice %arg8[%multiple_of3A] : memref<16384xf32, #tpu.memory_space<hbm>> -> memref<512xf32, #tpu.memory_space<hbm>>
      tpu.wait_dma2 semaphore(%run_scoped3A : memref<!tpu.dma_semaphore, #tpu.memory_space<semaphore_mem>>) src(%arg15 : memref<512xf32, #tpu.memory_space<vmem>>) dst(%dma_wait3A_620 : memref<512xf32, #tpu.memory_space<hbm>>)
      tpu.yield
    }) : () -> ()
    return
  }
}

</mosaic_0001>

<sc_bundles>
// kernel: kernel.3.cloned.1.call-start
scs
__scs_entry_jumppad:
0x0: {  	(pc) =	sbr.rel $0x88, $3  }
0x1: {  	(tag) =	ssettag $0x0;
	lr =	simm.s32 $0x1  }
0x2: {  	[smem:$0x3F9B] =	sst lr;
	_ =	strace $0xD0000000  }
0x3: {  	_ = 	snop  }
0x4: {  	_ = 	snop  }
0x5: {  	_ = 	snop  }
0x6: {  	_ = 	snop  }
0x7: {  	_ = 	snop  }
__scs_overlays_trampoline_lowered:
0x8: {  	[smem:$0x3FAA] =	sst s0  }
0x9: {  	[smem:$0x3FAB] =	sst s1  }
0xa: {  	[smem:$0x3FAC] =	sst s2  }
0xb: {  	[smem:$0x3FAD] =	sst s3  }
0xc: {  	[smem:$0x3FAE] =	sst s4  }
0xd: {  	[smem:$0x3FAF] =	sst s5  }
0xe: {  	[smem:$0x3FB0] =	sst s6  }
0xf: {  	[smem:$0x3FB1] =	sst s7  }
0x10: {  	[smem:$0x3FB2] =	sst s8  }
0x11: {  	[smem:$0x3FB3] =	sst s9;
	s0 =	simm.s32 @!p0 $0x0  }
0x12: {  	s1 =	sld [smem:$0x3F99];
	s0 =	simm.s32 @p0 $0x1  }
0x13: {  	[smem:$0x3FB4] =	sst s0;
	s0 =	simm.s32 @!p1 $0x0  }
0x14: {  	s2 =	sld [smem:$0x3F98];
	s0 =	simm.s32 @p1 $0x1  }
0x15: {  	[smem:$0x3FB5] =	sst s0;
	s0 =	simm.s32 @!p2 $0x0  }
0x16: {  	s3 =	sld [smem:$0x3FDB];
	s0 =	simm.s32 @p2 $0x1  }
0x17: {  	s4 =	simm.s32 $0x1BF5;
	[smem:$0x3FB7] =	sst s0  }
0x18: {  	s0 =	sld [smem:$0x3F9A];
	_ =	swait.ge [sflag:s4], $0x0  }
0x19: {  	s7 =	sld [smem:$0x3F9B]  }
0x1a: {  	s8 =	sadd.s32 $0xFFFFE003, lr  }
0x1b: {  	s9 =	sadd.s32 $0xFFFFFEF7, lr;
	s5 =	simm.s32 $0xFFFFFFFF;
	p2 =	slt.u32 s8, $0xFFFFF086  }
0x1c: {  	p1 =	slt.u32 s9, $0xF7A;
	s5 =	simm.s32 @!p2 $0x0  }
0x1d: {  	s5 =	simm.s32 @p1 $0x1;
	p0 =	seq.s32 s7, s2  }
0x1e: {  	s7 =	smul.u32 @!p0 $0xF7A, s2;
	p2 =	seq.s32 @!p0 s5, $0x0  }
0x1f: {  	s9 =	smul.u32 $0xF7A, s1;
	s8 =	simm.s32 @!p0 $0x1BF5;
	p2 =	por !p2, p0  }
0x20: {  	[sflag:s8] =	ssyncset.s32 @!p0 $0xFFFFF086;
	s6 =	sadd.s32 @!p0 s3, s7;
	s7 =	simm.s32 @!p0 $0x108  }
0x21: {  	s3 =	sadd.s32 s3, s9;
	s6 =	sadd.s32 @!p0 $0x88, s6;
	s7 =	simm.s32 @p2 $0x1082  }
0x22: {  	[simem:s7], [sflag:s8] =	dma.local @!p0 [hbm:s6], $0xF7A  }
0x23: {  	s9 =	sor.u32 $0xD0000000, s2;
	s6 =	simm.s32 $0x108;
	_ =	swait.ge @!p0 [sflag:s8], $0x0  }
0x24: {  	s3 =	sadd.s32 $0x88, s3;
	s6 =	simm.s32 @!p1 $0x1082;
	[sflag:s4] =	ssyncset.s32 $0xFFFFF086  }
0x25: {  	[simem:s6], [sflag:s4] =	dma.local [hbm:s3], $0xF7A  }
0x26: {  	[smem:$0x3F9B] =	sst s1;
	(tag) =	ssettag s2;
	_ =	strace s9  }
0x27: {  	s1 =	sld [smem:$0x3FAB]  }
0x28: {  	s2 =	sld [smem:$0x3FAC]  }
0x29: {  	s4 =	sld [smem:$0x3FAE]  }
0x2a: {  	p0 =	seq.s32 s5, $0x0;
	s5 =	sld [smem:$0x3FAF]  }
0x2b: {  	s6 =	sld [smem:$0x3FB0]  }
0x2c: {  	s7 =	sld [smem:$0x3FB1]  }
0x2d: {  	s3 =	simm.s32 $0x108;
	s8 =	sld [smem:$0x3FB2]  }
0x2e: {  	s3 =	simm.s32 @!p0 $0x1082;
	s9 =	sld [smem:$0x3FB3]  }
0x2f: {  	lr =	sadd.s32 s0, s3;
	s0 =	sld [smem:$0x3FAA]  }
0x30: {  	s3 =	sld [smem:$0x3FAD]  }
0x31: {  	[smem:$0x3FB6] =	sst s10  }
0x32: {  	s10 =	sld [smem:$0x3FB4];
	_ =	sdelay $0x3  }
0x33: {  	p0 =	seq.s32 s10, $0x1;
	s10 =	sld [smem:$0x3FB6];
	_ =	sdelay $0x3  }
0x34: {  	[smem:$0x3FB6] =	sst s10  }
0x35: {  	s10 =	sld [smem:$0x3FB5];
	_ =	sdelay $0x3  }
0x36: {  	p1 =	seq.s32 s10, $0x1;
	s10 =	sld [smem:$0x3FB6];
	_ =	sdelay $0x3  }
0x37: {  	[smem:$0x3FB6] =	sst s10  }
0x38: {  	s10 =	sld [smem:$0x3FB7]  }
0x39: {  	_ = 	snop;
	(pc) =	sbr.ind lr, $3  }
0x3a: {  	_ = 	snop  }
0x3b: {  	_ = 	snop  }
0x3c: {  	p2 =	seq.s32 s10, $0x1;
	s10 =	sld [smem:$0x3FB6]  }
0x3d: {  	_ =	shalt  }
0x3e: {  	_ =	shalt  }
0x3f: {  	_ =	shalt  }
0x40: {  	_ =	shalt  }
0x41: {  	_ =	shalt  }
0x42: {  	_ =	shalt  }
0x43: {  	_ =	shalt  }
0x44: {  	_ =	shalt  }
0x45: {  	_ =	shalt  }
0x46: {  	_ =	shalt  }
0x47: {  	_ =	shalt  }
0x48: {  	_ =	shalt  }
0x49: {  	_ =	shalt  }
0x4a: {  	_ =	shalt  }
0x4b: {  	_ =	shalt  }
0x4c: {  	_ =	shalt  }
0x4d: {  	_ =	shalt  }
0x4e: {  	_ =	shalt  }
0x4f: {  	_ =	shalt  }
0x50: {  	_ =	shalt  }
0x51: {  	_ =	shalt  }
0x52: {  	_ =	shalt  }
0x53: {  	_ =	shalt  }
0x54: {  	_ =	shalt  }
0x55: {  	_ =	shalt  }
0x56: {  	_ =	shalt  }
0x57: {  	_ =	shalt  }
0x58: {  	_ =	shalt  }
0x59: {  	_ =	shalt  }
0x5a: {  	_ =	shalt  }
0x5b: {  	_ =	shalt  }
0x5c: {  	_ =	shalt  }
0x5d: {  	_ =	shalt  }
0x5e: {  	_ =	shalt  }
0x5f: {  	_ =	shalt  }
0x60: {  	_ =	shalt  }
0x61: {  	_ =	shalt  }
0x62: {  	_ =	shalt  }
0x63: {  	_ =	shalt  }
0x64: {  	_ =	shalt  }
0x65: {  	_ =	shalt  }
0x66: {  	_ =	shalt  }
0x67: {  	_ =	shalt  }
0x68: {  	_ =	shalt  }
0x69: {  	_ =	shalt  }
0x6a: {  	_ =	shalt  }
0x6b: {  	_ =	shalt  }
0x6c: {  	_ =	shalt  }
0x6d: {  	_ =	shalt  }
0x6e: {  	_ =	shalt  }
0x6f: {  	_ =	shalt  }
0x70: {  	_ =	shalt  }
0x71: {  	_ =	shalt  }
0x72: {  	_ =	shalt  }
0x73: {  	_ =	shalt  }
0x74: {  	_ =	shalt  }
0x75: {  	_ =	shalt  }
0x76: {  	_ =	shalt  }
0x77: {  	_ =	shalt  }
0x78: {  	_ =	shalt  }
0x79: {  	_ =	shalt  }
0x7a: {  	_ =	shalt  }
0x7b: {  	_ =	shalt  }
0x7c: {  	_ =	shalt  }
0x7d: {  	_ =	shalt  }
0x7e: {  	_ =	shalt  }
0x7f: {  	_ =	shalt  }
0x80: {  	_ =	shalt  }
0x81: {  	_ =	shalt  }
0x82: {  	_ =	shalt  }
0x83: {  	_ =	shalt  }
0x84: {  	_ =	shalt  }
0x85: {  	_ =	shalt  }
0x86: {  	_ =	shalt  }
0x87: {  	_ =	shalt  }
.Lfunc_end0:
.L_simem_size_0:
called_computation_lowered:
.L_overlay_start_0:
0x88: {  	s2 =	sld [smem:$0x3FD9]  }
0x89: {  	s3 =	sld [smem:$0x3FFE];
	_ =	sdelay $0x1  }
0x8a: {  	s1 =	srdreg.scid  }
0x8b: {  	s0 =	sand.u32 $0x1, s1  }
0x8c: {  	s17 =	sshll.u32 s0, $0xA;
	s2 =	sadd.s32 s3, s2  }
0x8d: {  	s2 =	sadd.s32 s2, s17  }
0x8e: {  	[smem:$0x3FC2] =	sst s2  }
0x8f: {  	_ = 	snop  }
0x90: {  	s2 =	sld [smem:$0x3FC9]  }
0x91: {  	s18 =	sld [smem:$0x3FC8]  }
0x92: {  	s4 =	sld [smem:$0x3FD0];
	(tm) =	ssettm $0x1  }
0x93: {  	s5 =	sld [smem:$0x3FFB];
	_ =	sdelay $0x3  }
0x94: {  	_ =	strace s5  }
0x95: {  	s5 =	sld [smem:$0x3FFC];
	_ =	sdelay $0x3  }
0x96: {  	_ =	strace s5  }
0x97: {  	s5 =	sld [smem:$0x3FFD];
	_ =	sdelay $0x3  }
0x98: {  	_ =	strace s5  }
0x99: {  	_ =	strace $0x8FFFFFFF  }
0x9a: {  	s19 =	sld [smem:$0x3FDB];
	_ =	sdelay $0x1  }
0x9b: {  	s6 =	simm.s32 $_scs_section_size  }
0x9c: {  	s7 =	simm.s32 $_size__tile_overlayer_lowered;
	s8 =	simm.s32 $_tile_overlayer_lowered  }
0x9d: {  	s22 =	simm.s32 $0x1BFF;
	s21 =	sshll.u32 s8, $0x1;
	s5 =	sadd.s32 s6, s19  }
0x9e: {  	s9 =	simm.s32 $0x0;
	s20 =	sshll.u32 s7, $0x1;
	s7 =	sadd.s32 s21, s5  }
0x9f: {  	[timem:s9], [sflag:s22] =	dma.local [hbm:s7], s20  }
0xa0: {  	_ =	swait.ge [sflag:s22], s20  }
0xa1: {  	s6 =	ssub.s32 $0x0, s20;
	[sflag:s22] =	ssyncset.done $0x0  }
0xa2: {  	[sflag:s22] =	ssyncadd.s32 s6;
	_ =	sdelay $0x1  }
0xa3: {  	s23 =	simm.s32 $0x1B8B  }
0xa4: {  	_ =	swait.ge [sflag:s23], $0x1  }
0xa5: {  	[sflag:s23] =	ssyncset.done $0x0  }
0xa6: {  	s25 =	simm.s32 $0x1B8E;
	s24 =	sld [smem:$0x3FFE];
	[sflag:s23] =	ssyncadd.s32 $0xFFFFFFFF  }
0xa7: {  	s26 =	simm.s32 $execute0_lowered;
	[smem:$0x3FD2] =	sst s25  }
0xa8: {  	s7 =	sshll.u32 s26, $0x1;
	_ =	strace $0x80000046;
	[dreg:$0x1] =	wrdreg $0xFFFFFFFF  }
0xa9: {  	s28 =	simm.s32 $_size_execute0_lowered;
	s5 =	sadd.s32 s5, s7;
	[dreg:$0x0] =	wrdreg $0x0  }
0xaa: {  	s7 =	sshll.u32 s28, $0x1;
	[dreg:$0x2] =	wrdreg s5  }
0xab: {  	[dreg:$0x3] =	wrdreg s7  }
0xac: {  	[dreg:$0x4] =	wrdreg $0xC0  }
0xad: {  	_ =	task [dreg:s9], $0x5FFFF  }
0xae: {  	[dreg:$0x1] =	wrdreg $0xFFFFFFFF  }
0xaf: {  	[dreg:$0x0] =	wrdreg $0x60  }
0xb0: {  	[dreg:$0x2] =	wrdreg s2  }
0xb1: {  	[dreg:$0x3] =	wrdreg s18  }
0xb2: {  	[dreg:$0x4] =	wrdreg s24  }
0xb3: {  	[dreg:$0x5] =	wrdreg s4  }
0xb4: {  	[dreg:$0x6] =	wrdreg $0x9  }
0xb5: {  	_ =	task.clear_ibuf [dreg:s9], $0x7FFFF;
	_ =	strace $0x90000046  }
0xb6: {  	s29 =	simm.s32 $0x9;
	_ =	strace $0x80000048  }
0xb7: {  	_ =	swait.ge [sflag:s29], $0x1  }
0xb8: {  	[sflag:s29] =	ssyncadd.s32 $0xFFFFFFFF  }
0xb9: {  	_ =	strace $0x90000048  }
0xba: {  	_ =	sfence  }
0xbb: {  	s30 =	sld [smem:$0x0];
	_ =	sdelay $0x2  }
0xbc: {  	s31 =	sshll.u32 s1, $0xD;
	s1 =	sshrl.u32 s1, $0x2  }
0xbd: {  	s3 =	sand.u32 $0x4000, s31;
	s1 =	sadd.s32 s1, s30  }
0xbe: {  	s0 =	sor.u32 s3, s0;
	s1 =	sshll.u32 s1, $0x11  }
0xbf: {  	s0 =	sor.u32 s1, s0  }
0xc0: {  	s0 =	sadd.s32 $0x8F2B, s0  }
0xc1: {  	[sflag:s0] =	ssyncadd.remote.s32 $0x1  }
0xc2: {  	_ =	sfence.sel $0xFFFF  }
0xc3: {  	[dreg:$0x0] =	wrdreg $0xFFFFFFFF;
	(pc) =	sbr.abs _section_cstart, $3  }
0xc4: {  	[dreg:$0x1] =	wrdreg $0xFFFFFFFF  }
0xc5: {  	_ =	task.clear_ibuf [dreg:s9], $0x2FFFF;
	_ =	strace $0x9FFFFFFF  }
0xc6: {  	(tm) =	ssettm $0x7FFFFFFF  }
0xc7: {  	_ =	shalt  }
tec
execute0_lowered:
.L_overlay_start_1:
0x0: {  	(tag) =	ssettag $0x1  }
0x1: {  	s0 =	rddreg [dreg:$0x0]  }
0x2: {  	s2 =	rddreg [dreg:$0x1]  }
0x3: {  	s6 =	rddreg [dreg:$0x2]  }
0x4: {  	s9 =	rddreg [dreg:$0x3];
	s1 =	simm.s32 $0x0;
	s5 =	srdreg.scid  }
0x5: {  	s10 =	stileid.u32;
	s12 =	simm.s32 $0x200;
	s13 =	simm.s32 $0x80  }
0x6: {  	s19 =	simm.s32 $0x280;
	s23 =	simm.s32 $0x100;
	s25 =	simm.s32 $0x300  }
0x7: {  	s26 =	simm.s32 $0x6400;
	s28 =	simm.s32 $0x8500;
	s29 =	simm.s32 $0x8700  }
0x8: {  	s30 =	simm.s32 $0x180;
	s31 =	simm.s32 $0x3400;
	s14 =	simm.s32 $0x8580  }
0x9: {  	s15 =	simm.s32 $0x8780;
	s16 =	simm.s32 $0x1;
	s17 =	simm.s32 $0x8800  }
0xa: {  	s18 =	simm.s32 $0x0;
	[smem:$0x7FF] =	sst s1;
	s3 =	sadd.s32 $0x63600, s6  }
0xb: {  	s4 =	sadd.s32 $0x1A00, s6;
	s5 =	sand.u32 $0x1, s5;
	s10 =	sshll.u32 s10, $0x6  }
0xc: {  	_ =	strace $0x80000047;
	s7 =	ssub.s32 $0x2, s5;
	s8 =	sshll.u32 s5, $0xA  }
0xd: {  	s5 =	sadd.s32 $0xC8400, s6;
	s11 =	sshrl.u32 s7, $0x1;
	s10 =	sor.u32 s10, s8  }
0xe: {  	s6 =	sadd.s32 $0xC5200, s6;
	s11 =	ssub.s32 s7, s11;
	s7 =	sadd.s32 s0, s10  }
0xf: {  	v0 =	vimm.s32 $0x0;
	vm0 =	vcmask $0x300;
	s8 =	sadd.s32 s2, s10;
	s9 =	sadd.s32 s9, s10;
	s0 =	simm.s32 $0x380  }
0x10: {  	v0 =	vsel vm0, $0x3, v0;
	vm0 =	vcmask $0x3F3C;
	s2 =	simm.s32 $0x7400;
	s10 =	smax.u32 s11, $0x1;
	s11 =	simm.s32 $0x2  }
.LBB2_1:
0x11: {  	[tilespmem:s1], [sflag:$0x2] =	stream.linear.gather [hbm4b:s7+s1], $0x200, $0x38;
	[tilespmem:$0x8A00] =	vst v63  }
0x12: {  	_ =	swait.ge [sflag:s11], $0x200  }
0x13: {  	[sflag:s11] =	ssyncset.done $0x0  }
0x14: {  	[sflag:s11] =	ssyncadd.s32 $0xFFFFFE00  }
0x15: {  	[tilespmem:s12], [sflag:$0x2] =	stream.linear.gather [hbm4b:s8+s1], $0x200, $0x38;
	[tilespmem:$0x8A00] =	vst v63  }
0x16: {  	_ =	swait.ge [sflag:s11], $0x200  }
0x17: {  	[sflag:s11] =	ssyncset.done $0x0  }
0x18: {  	s20 =	simm.s32 $0x400;
	[sflag:s11] =	ssyncadd.s32 $0xFFFFFE00  }
0x19: {  	[tilespmem:s20], [sflag:$0x1] =	stream.indirect.gather [hbm4b:s3+s13], $0x20, s1, s13, $0xb8;
	[tilespmem:$0x8A00] =	vst v63  }
0x1a: {  	s22 =	simm.s32 $0x4400  }
0x1b: {  	[tilespmem:s22], [sflag:$0x1] =	stream.indirect.gather [hbm4b:s4+s13], $0x20, s12, s13, $0xb8;
	[tilespmem:$0x8A00] =	vst v63  }
0x1c: {  	s24 =	simm.s32 $0x8400  }
0x1d: {  	[tilespmem:s24], [sflag:$0x1] =	stream.indirect.gather [hbm4b:s5+s13], $0x1, s1, s13, $0xb8;
	[tilespmem:$0x8A00] =	vst v63  }
0x1e: {  	s21 =	simm.s32 $0x8600  }
0x1f: {  	[tilespmem:s21], [sflag:$0x1] =	stream.indirect.gather [hbm4b:s6+s13], $0x1, s12, s13, $0xb8;
	[tilespmem:$0x8A00] =	vst v63  }
0x20: {  	s22 =	simm.s32 $0x1400  }
0x21: {  	[tilespmem:s22], [sflag:$0x1] =	stream.indirect.gather [hbm4b:s3+s13], $0x20, s13, s13, $0xb8;
	[tilespmem:$0x8A00] =	vst v63  }
0x22: {  	s24 =	simm.s32 $0x5400  }
0x23: {  	[tilespmem:s24], [sflag:$0x1] =	stream.indirect.gather [hbm4b:s4+s13], $0x20, s19, s13, $0xb8;
	[tilespmem:$0x8A00] =	vst v63  }
0x24: {  	s21 =	simm.s32 $0x8480  }
0x25: {  	[tilespmem:s21], [sflag:$0x1] =	stream.indirect.gather [hbm4b:s5+s13], $0x1, s13, s13, $0xb8;
	[tilespmem:$0x8A00] =	vst v63  }
0x26: {  	s22 =	simm.s32 $0x8680  }
0x27: {  	[tilespmem:s22], [sflag:$0x1] =	stream.indirect.gather [hbm4b:s6+s13], $0x1, s19, s13, $0xb8;
	[tilespmem:$0x8A00] =	vst v63  }
0x28: {  	s24 =	simm.s32 $0x2400  }
0x29: {  	[tilespmem:s24], [sflag:$0x1] =	stream.indirect.gather [hbm4b:s3+s13], $0x20, s23, s13, $0xb8;
	[tilespmem:$0x8A00] =	vst v63  }
0x2a: {  	_ = 	snop  }
0x2b: {  	[tilespmem:s26], [sflag:$0x1] =	stream.indirect.gather [hbm4b:s4+s13], $0x20, s25, s13, $0xb8;
	[tilespmem:$0x8A00] =	vst v63  }
0x2c: {  	_ = 	snop  }
0x2d: {  	[tilespmem:s28], [sflag:$0x1] =	stream.indirect.gather [hbm4b:s5+s13], $0x1, s23, s13, $0xb8;
	[tilespmem:$0x8A00] =	vst v63  }
0x2e: {  	_ = 	snop  }
0x2f: {  	[tilespmem:s29], [sflag:$0x1] =	stream.indirect.gather [hbm4b:s6+s13], $0x1, s25, s13, $0xb8;
	[tilespmem:$0x8A00] =	vst v63  }
0x30: {  	_ = 	snop  }
0x31: {  	[tilespmem:s31], [sflag:$0x1] =	stream.indirect.gather [hbm4b:s3+s13], $0x20, s30, s13, $0xb8;
	[tilespmem:$0x8A00] =	vst v63  }
0x32: {  	_ = 	snop  }
0x33: {  	[tilespmem:s2], [sflag:$0x1] =	stream.indirect.gather [hbm4b:s4+s13], $0x20, s0, s13, $0xb8;
	[tilespmem:$0x8A00] =	vst v63  }
0x34: {  	_ = 	snop  }
0x35: {  	[tilespmem:s14], [sflag:$0x1] =	stream.indirect.gather [hbm4b:s5+s13], $0x1, s30, s13, $0xb8;
	[tilespmem:$0x8A00] =	vst v63  }
0x36: {  	_ = 	snop  }
0x37: {  	[tilespmem:s15], [sflag:$0x1] =	stream.indirect.gather [hbm4b:s6+s13], $0x1, s0, s13, $0xb8;
	[tilespmem:$0x8A00] =	vst v63  }
0x38: {  	_ =	swait.ge [sflag:s16], $0x1000  }
0x39: {  	[sflag:s16] =	ssyncset.done $0x0  }
0x3a: {  	[sflag:s16] =	ssyncadd.s32 $0xFFFFF000  }
0x3b: {  	_ =	swait.ge [sflag:s16], $0x1000  }
0x3c: {  	[sflag:s16] =	ssyncset.done $0x0  }
0x3d: {  	[sflag:s16] =	ssyncadd.s32 $0xFFFFF000  }
0x3e: {  	_ =	swait.ge [sflag:s16], $0x80  }
0x3f: {  	[sflag:s16] =	ssyncset.done $0x0  }
0x40: {  	[sflag:s16] =	ssyncadd.s32 $0xFFFFFF80  }
0x41: {  	_ =	swait.ge [sflag:s16], $0x80  }
0x42: {  	[sflag:s16] =	ssyncset.done $0x0  }
0x43: {  	[sflag:s16] =	ssyncadd.s32 $0xFFFFFF80  }
0x44: {  	_ =	swait.ge [sflag:s16], $0x1000  }
0x45: {  	[sflag:s16] =	ssyncset.done $0x0  }
0x46: {  	[sflag:s16] =	ssyncadd.s32 $0xFFFFF000  }
0x47: {  	_ =	swait.ge [sflag:s16], $0x1000  }
0x48: {  	[sflag:s16] =	ssyncset.done $0x0  }
0x49: {  	[sflag:s16] =	ssyncadd.s32 $0xFFFFF000  }
0x4a: {  	_ =	swait.ge [sflag:s16], $0x80  }
0x4b: {  	[sflag:s16] =	ssyncset.done $0x0  }
0x4c: {  	[sflag:s16] =	ssyncadd.s32 $0xFFFFFF80  }
0x4d: {  	_ =	swait.ge [sflag:s16], $0x80  }
0x4e: {  	[sflag:s16] =	ssyncset.done $0x0  }
0x4f: {  	[sflag:s16] =	ssyncadd.s32 $0xFFFFFF80  }
0x50: {  	_ =	swait.ge [sflag:s16], $0x1000  }
0x51: {  	[sflag:s16] =	ssyncset.done $0x0  }
0x52: {  	[sflag:s16] =	ssyncadd.s32 $0xFFFFF000  }
0x53: {  	_ =	swait.ge [sflag:s16], $0x1000  }
0x54: {  	[sflag:s16] =	ssyncset.done $0x0  }
0x55: {  	[sflag:s16] =	ssyncadd.s32 $0xFFFFF000  }
0x56: {  	_ =	swait.ge [sflag:s16], $0x80  }
0x57: {  	[sflag:s16] =	ssyncset.done $0x0  }
0x58: {  	[sflag:s16] =	ssyncadd.s32 $0xFFFFFF80  }
0x59: {  	_ =	swait.ge [sflag:s16], $0x80  }
0x5a: {  	[sflag:s16] =	ssyncset.done $0x0  }
0x5b: {  	[sflag:s16] =	ssyncadd.s32 $0xFFFFFF80  }
0x5c: {  	_ =	swait.ge [sflag:s16], $0x1000  }
0x5d: {  	[sflag:s16] =	ssyncset.done $0x0  }
0x5e: {  	[sflag:s16] =	ssyncadd.s32 $0xFFFFF000  }
0x5f: {  	_ =	swait.ge [sflag:s16], $0x1000  }
0x60: {  	[sflag:s16] =	ssyncset.done $0x0  }
0x61: {  	[sflag:s16] =	ssyncadd.s32 $0xFFFFF000  }
0x62: {  	_ =	swait.ge [sflag:s16], $0x80  }
0x63: {  	[sflag:s16] =	ssyncset.done $0x0  }
0x64: {  	[sflag:s16] =	ssyncadd.s32 $0xFFFFFF80  }
0x65: {  	_ =	swait.ge [sflag:s16], $0x80  }
0x66: {  	s20 =	simm.s32 $0xF;
	[sflag:s16] =	ssyncset.done $0x0  }
0x67: {  	s21 =	simm.s32 $0x4500;
	s22 =	simm.s32 $0x500;
	[sflag:s16] =	ssyncadd.s32 $0xFFFFFF80  }
.LBB2_2:
0x68: {  	v1 =	vld [tilespmem:s22+$0xFFFFFF00]  }
0x69: {  	v2 =	vld [tilespmem:s21+$0xFFFFFF00]  }
0x6a: {  	v3 =	vld [tilespmem:s22+$0xFFFFFF10]  }
0x6b: {  	v4 =	vld [tilespmem:s21+$0xFFFFFF10];
	_ =	sdelay $0x1  }
0x6c: {  	v5 =	vunpack.i.u.bf16.f32 v1  }
0x6d: {  	v1 =	vunpack.i.l.bf16.f32 v1;
	v6 =	vunpack.i.u.bf16.f32 v2;
	v2 =	vunpack.i.l.bf16.f32 v2  }
0x6e: {  	v1 =	vmul.f32 v2, v1;
	v2 =	vmul.f32 v6, v5  }
0x6f: {  	v42 =	vunpack.i.l.bf16.f32 v3;
	v43 =	vunpack.i.l.bf16.f32 v4  }
0x70: {  	v1 =	vadd.f32 v1, v2;
	v2 =	vmul.f32 v43, v42  }
0x71: {  	v3 =	vunpack.i.u.bf16.f32 v3;
	v4 =	vunpack.i.u.bf16.f32 v4  }
0x72: {  	v1 =	vadd.f32 v2, v1;
	v2 =	vmul.f32 v4, v3;
	_ =	sdelay $0x1  }
0x73: {  	v1 =	vadd.f32 v1, v2;
	_ =	sdelay $0x1  }
0x74: {  	(xrf2) =	vadd.scan.msk.f32 $0xffff, v1  }
0x75: {  	s24 =	sadd.s32 $0xFFFFFFF1, s20  }
0x76: {  	v1 =	vmov s24  }
0x77: {  	v1 =	vshrl.u32 v1, $0x3  }
0x78: {  	v1 =	vshll.u32 v1, v0  }
0x79: {  	v1 =	vbroadcast v1, $0x0;
	_ =	sdelay $0x4  }
0x7a: {  	v2, _, _ =	vpop (xrf2)  }
0x7b: {  	[tilespmem:v1+s17+$0x0] =	vst.idx.msk vm0, v2  }
0x7c: {  	v1 =	vld [tilespmem:s22+$0xFFFFFF20]  }
0x7d: {  	v2 =	vld [tilespmem:s21+$0xFFFFFF20]  }
0x7e: {  	v3 =	vld [tilespmem:s22+$0xFFFFFF30]  }
0x7f: {  	v44 =	vld [tilespmem:s21+$0xFFFFFF30];
	_ =	sdelay $0x1  }
0x80: {  	v45 =	vunpack.i.u.bf16.f32 v1  }
0x81: {  	v1 =	vunpack.i.l.bf16.f32 v1;
	v46 =	vunpack.i.u.bf16.f32 v2;
	v2 =	vunpack.i.l.bf16.f32 v2  }
0x82: {  	v1 =	vmul.f32 v2, v1;
	v2 =	vmul.f32 v46, v45  }
0x83: {  	v47 =	vunpack.i.l.bf16.f32 v3;
	v48 =	vunpack.i.l.bf16.f32 v44  }
0x84: {  	v1 =	vadd.f32 v1, v2;
	v2 =	vmul.f32 v48, v47  }
0x85: {  	v3 =	vunpack.i.u.bf16.f32 v3;
	v4 =	vunpack.i.u.bf16.f32 v44  }
0x86: {  	v1 =	vadd.f32 v2, v1;
	v2 =	vmul.f32 v4, v3;
	_ =	sdelay $0x1  }
0x87: {  	v1 =	vadd.f32 v1, v2;
	_ =	sdelay $0x1  }
0x88: {  	s24 =	sadd.s32 $0xFFFFFFF2, s20;
	(xrf2) =	vadd.scan.msk.f32 $0xffff, v1  }
0x89: {  	v1 =	vmov s24  }
0x8a: {  	v1 =	vshrl.u32 v1, $0x3  }
0x8b: {  	v1 =	vshll.u32 v1, v0  }
0x8c: {  	v1 =	vadd.s32 $0x1, v1  }
0x8d: {  	v1 =	vbroadcast v1, $0x0;
	_ =	sdelay $0x4  }
0x8e: {  	v2, _, _ =	vpop (xrf2)  }
0x8f: {  	[tilespmem:v1+s17+$0x0] =	vst.idx.msk vm0, v2  }
0x90: {  	v1 =	vld [tilespmem:s22+$0xFFFFFF40]  }
0x91: {  	v2 =	vld [tilespmem:s21+$0xFFFFFF40]  }
0x92: {  	v3 =	vld [tilespmem:s22+$0xFFFFFF50]  }
0x93: {  	v49 =	vld [tilespmem:s21+$0xFFFFFF50];
	_ =	sdelay $0x1  }
0x94: {  	v50 =	vunpack.i.u.bf16.f32 v1  }
0x95: {  	v1 =	vunpack.i.l.bf16.f32 v1;
	v51 =	vunpack.i.u.bf16.f32 v2;
	v2 =	vunpack.i.l.bf16.f32 v2  }
0x96: {  	v1 =	vmul.f32 v2, v1;
	v2 =	vmul.f32 v51, v50  }
0x97: {  	v52 =	vunpack.i.l.bf16.f32 v3;
	v53 =	vunpack.i.l.bf16.f32 v49  }
0x98: {  	v1 =	vadd.f32 v1, v2;
	v2 =	vmul.f32 v53, v52  }
0x99: {  	v3 =	vunpack.i.u.bf16.f32 v3;
	v4 =	vunpack.i.u.bf16.f32 v49  }
0x9a: {  	v1 =	vadd.f32 v2, v1;
	v2 =	vmul.f32 v4, v3;
	_ =	sdelay $0x1  }
0x9b: {  	v1 =	vadd.f32 v1, v2;
	_ =	sdelay $0x1  }
0x9c: {  	s24 =	sadd.s32 $0xFFFFFFF3, s20;
	(xrf2) =	vadd.scan.msk.f32 $0xffff, v1  }
0x9d: {  	v1 =	vmov s24  }
0x9e: {  	v1 =	vshrl.u32 v1, $0x3  }
0x9f: {  	v1 =	vshll.u32 v1, v0  }
0xa0: {  	v1 =	vadd.s32 $0x2, v1  }
0xa1: {  	v1 =	vbroadcast v1, $0x0;
	_ =	sdelay $0x4  }
0xa2: {  	v2, _, _ =	vpop (xrf2)  }
0xa3: {  	[tilespmem:v1+s17+$0x0] =	vst.idx.msk vm0, v2  }
0xa4: {  	v1 =	vld [tilespmem:s22+$0xFFFFFF60]  }
0xa5: {  	v2 =	vld [tilespmem:s21+$0xFFFFFF60]  }
0xa6: {  	v3 =	vld [tilespmem:s22+$0xFFFFFF70]  }
0xa7: {  	v54 =	vld [tilespmem:s21+$0xFFFFFF70];
	_ =	sdelay $0x1  }
0xa8: {  	v55 =	vunpack.i.u.bf16.f32 v1  }
0xa9: {  	v1 =	vunpack.i.l.bf16.f32 v1;
	v56 =	vunpack.i.u.bf16.f32 v2;
	v2 =	vunpack.i.l.bf16.f32 v2  }
0xaa: {  	v1 =	vmul.f32 v2, v1;
	v2 =	vmul.f32 v56, v55  }
0xab: {  	v57 =	vunpack.i.l.bf16.f32 v3;
	v58 =	vunpack.i.l.bf16.f32 v54  }
0xac: {  	v1 =	vadd.f32 v1, v2;
	v2 =	vmul.f32 v58, v57  }
0xad: {  	v3 =	vunpack.i.u.bf16.f32 v3;
	v4 =	vunpack.i.u.bf16.f32 v54  }
0xae: {  	v1 =	vadd.f32 v2, v1;
	v2 =	vmul.f32 v4, v3;
	_ =	sdelay $0x1  }
0xaf: {  	v1 =	vadd.f32 v1, v2;
	_ =	sdelay $0x1  }
0xb0: {  	s24 =	sadd.s32 $0xFFFFFFF4, s20;
	(xrf2) =	vadd.scan.msk.f32 $0xffff, v1  }
0xb1: {  	v1 =	vmov s24  }
0xb2: {  	v1 =	vshrl.u32 v1, $0x3  }
0xb3: {  	v1 =	vshll.u32 v1, v0  }
0xb4: {  	v1 =	vadd.s32 $0x3, v1  }
0xb5: {  	v1 =	vbroadcast v1, $0x0;
	_ =	sdelay $0x4  }
0xb6: {  	v2, _, _ =	vpop (xrf2)  }
0xb7: {  	[tilespmem:v1+s17+$0x0] =	vst.idx.msk vm0, v2  }
0xb8: {  	v1 =	vld [tilespmem:s22+$0xFFFFFF80]  }
0xb9: {  	v2 =	vld [tilespmem:s21+$0xFFFFFF80]  }
0xba: {  	v3 =	vld [tilespmem:s22+$0xFFFFFF90]  }
0xbb: {  	v59 =	vld [tilespmem:s21+$0xFFFFFF90];
	_ =	sdelay $0x1  }
0xbc: {  	v60 =	vunpack.i.u.bf16.f32 v1  }
0xbd: {  	v1 =	vunpack.i.l.bf16.f32 v1;
	v61 =	vunpack.i.u.bf16.f32 v2;
	v2 =	vunpack.i.l.bf16.f32 v2  }
0xbe: {  	v1 =	vmul.f32 v2, v1;
	v2 =	vmul.f32 v61, v60  }
0xbf: {  	v62 =	vunpack.i.l.bf16.f32 v3;
	v63 =	vunpack.i.l.bf16.f32 v59  }
0xc0: {  	v1 =	vadd.f32 v1, v2;
	v2 =	vmul.f32 v63, v62  }
0xc1: {  	v3 =	vunpack.i.u.bf16.f32 v3;
	v4 =	vunpack.i.u.bf16.f32 v59  }
0xc2: {  	v1 =	vadd.f32 v2, v1;
	v2 =	vmul.f32 v4, v3;
	_ =	sdelay $0x1  }
0xc3: {  	v1 =	vadd.f32 v1, v2;
	_ =	sdelay $0x1  }
0xc4: {  	s24 =	sadd.s32 $0xFFFFFFF5, s20;
	(xrf2) =	vadd.scan.msk.f32 $0xffff, v1  }
0xc5: {  	v1 =	vmov s24  }
0xc6: {  	v1 =	vshrl.u32 v1, $0x3  }
0xc7: {  	v1 =	vshll.u32 v1, v0  }
0xc8: {  	v1 =	vadd.s32 $0x4, v1  }
0xc9: {  	v1 =	vbroadcast v1, $0x0;
	_ =	sdelay $0x4  }
0xca: {  	v2, _, _ =	vpop (xrf2)  }
0xcb: {  	[tilespmem:v1+s17+$0x0] =	vst.idx.msk vm0, v2  }
0xcc: {  	v1 =	vld [tilespmem:s22+$0xFFFFFFA0]  }
0xcd: {  	v2 =	vld [tilespmem:s21+$0xFFFFFFA0]  }
0xce: {  	v3 =	vld [tilespmem:s22+$0xFFFFFFB0]  }
0xcf: {  	v9 =	vld [tilespmem:s21+$0xFFFFFFB0];
	_ =	sdelay $0x1  }
0xd0: {  	v10 =	vunpack.i.u.bf16.f32 v1  }
0xd1: {  	v1 =	vunpack.i.l.bf16.f32 v1;
	v11 =	vunpack.i.u.bf16.f32 v2;
	v2 =	vunpack.i.l.bf16.f32 v2  }
0xd2: {  	v1 =	vmul.f32 v2, v1;
	v2 =	vmul.f32 v11, v10  }
0xd3: {  	v12 =	vunpack.i.l.bf16.f32 v3;
	v13 =	vunpack.i.l.bf16.f32 v9  }
0xd4: {  	v1 =	vadd.f32 v1, v2;
	v2 =	vmul.f32 v13, v12  }
0xd5: {  	v3 =	vunpack.i.u.bf16.f32 v3;
	v4 =	vunpack.i.u.bf16.f32 v9  }
0xd6: {  	v1 =	vadd.f32 v2, v1;
	v2 =	vmul.f32 v4, v3;
	_ =	sdelay $0x1  }
0xd7: {  	v1 =	vadd.f32 v1, v2;
	_ =	sdelay $0x1  }
0xd8: {  	s24 =	sadd.s32 $0xFFFFFFF6, s20;
	(xrf2) =	vadd.scan.msk.f32 $0xffff, v1  }
0xd9: {  	v1 =	vmov s24  }
0xda: {  	v1 =	vshrl.u32 v1, $0x3  }
0xdb: {  	v1 =	vshll.u32 v1, v0  }
0xdc: {  	v1 =	vadd.s32 $0x5, v1  }
0xdd: {  	v1 =	vbroadcast v1, $0x0;
	_ =	sdelay $0x4  }
0xde: {  	v2, _, _ =	vpop (xrf2)  }
0xdf: {  	[tilespmem:v1+s17+$0x0] =	vst.idx.msk vm0, v2  }
0xe0: {  	v1 =	vld [tilespmem:s22+$0xFFFFFFC0]  }
0xe1: {  	v2 =	vld [tilespmem:s21+$0xFFFFFFC0]  }
0xe2: {  	v3 =	vld [tilespmem:s22+$0xFFFFFFD0]  }
0xe3: {  	v14 =	vld [tilespmem:s21+$0xFFFFFFD0];
	_ =	sdelay $0x1  }
0xe4: {  	v15 =	vunpack.i.u.bf16.f32 v1  }
0xe5: {  	v1 =	vunpack.i.l.bf16.f32 v1;
	v16 =	vunpack.i.u.bf16.f32 v2;
	v2 =	vunpack.i.l.bf16.f32 v2  }
0xe6: {  	v1 =	vmul.f32 v2, v1;
	v2 =	vmul.f32 v16, v15  }
0xe7: {  	v17 =	vunpack.i.l.bf16.f32 v3;
	v18 =	vunpack.i.l.bf16.f32 v14  }
0xe8: {  	v1 =	vadd.f32 v1, v2;
	v2 =	vmul.f32 v18, v17  }
0xe9: {  	v3 =	vunpack.i.u.bf16.f32 v3;
	v4 =	vunpack.i.u.bf16.f32 v14  }
0xea: {  	v1 =	vadd.f32 v2, v1;
	v2 =	vmul.f32 v4, v3;
	_ =	sdelay $0x1  }
0xeb: {  	v1 =	vadd.f32 v1, v2;
	_ =	sdelay $0x1  }
0xec: {  	s24 =	sadd.s32 $0xFFFFFFF7, s20;
	(xrf2) =	vadd.scan.msk.f32 $0xffff, v1  }
0xed: {  	v1 =	vmov s24  }
0xee: {  	v1 =	vshrl.u32 v1, $0x3  }
0xef: {  	v1 =	vshll.u32 v1, v0  }
0xf0: {  	v1 =	vadd.s32 $0x6, v1  }
0xf1: {  	v1 =	vbroadcast v1, $0x0;
	_ =	sdelay $0x4  }
0xf2: {  	v2, _, _ =	vpop (xrf2)  }
0xf3: {  	[tilespmem:v1+s17+$0x0] =	vst.idx.msk vm0, v2  }
0xf4: {  	v1 =	vld [tilespmem:s22+$0xFFFFFFE0]  }
0xf5: {  	v2 =	vld [tilespmem:s21+$0xFFFFFFE0]  }
0xf6: {  	v3 =	vld [tilespmem:s22+$0xFFFFFFF0]  }
0xf7: {  	v19 =	vld [tilespmem:s21+$0xFFFFFFF0];
	_ =	sdelay $0x1  }
0xf8: {  	v20 =	vunpack.i.u.bf16.f32 v1  }
0xf9: {  	v1 =	vunpack.i.l.bf16.f32 v1;
	v21 =	vunpack.i.u.bf16.f32 v2;
	v2 =	vunpack.i.l.bf16.f32 v2  }
0xfa: {  	v1 =	vmul.f32 v2, v1;
	v2 =	vmul.f32 v21, v20  }
0xfb: {  	v22 =	vunpack.i.l.bf16.f32 v3;
	v23 =	vunpack.i.l.bf16.f32 v19  }
0xfc: {  	v1 =	vadd.f32 v1, v2;
	v2 =	vmul.f32 v23, v22  }
0xfd: {  	v3 =	vunpack.i.u.bf16.f32 v3;
	v4 =	vunpack.i.u.bf16.f32 v19  }
0xfe: {  	v1 =	vadd.f32 v2, v1;
	v2 =	vmul.f32 v4, v3;
	_ =	sdelay $0x1  }
0xff: {  	v1 =	vadd.f32 v1, v2;
	_ =	sdelay $0x1  }
0x100: {  	s24 =	sadd.s32 $0xFFFFFFF8, s20;
	(xrf2) =	vadd.scan.msk.f32 $0xffff, v1  }
0x101: {  	v1 =	vmov s24  }
0x102: {  	v1 =	vshrl.u32 v1, $0x3  }
0x103: {  	v1 =	vshll.u32 v1, v0  }
0x104: {  	v1 =	vadd.s32 $0x7, v1  }
0x105: {  	v1 =	vbroadcast v1, $0x0;
	_ =	sdelay $0x4  }
0x106: {  	v2, _, _ =	vpop (xrf2)  }
0x107: {  	[tilespmem:v1+s17+$0x0] =	vst.idx.msk vm0, v2  }
0x108: {  	v1 =	vld [tilespmem:s22+$0x0]  }
0x109: {  	v2 =	vld [tilespmem:s21+$0x0]  }
0x10a: {  	v3 =	vld [tilespmem:s22+$0x10]  }
0x10b: {  	v24 =	vld [tilespmem:s21+$0x10];
	_ =	sdelay $0x1  }
0x10c: {  	v25 =	vunpack.i.u.bf16.f32 v1  }
0x10d: {  	v1 =	vunpack.i.l.bf16.f32 v1;
	v26 =	vunpack.i.u.bf16.f32 v2;
	v2 =	vunpack.i.l.bf16.f32 v2  }
0x10e: {  	v1 =	vmul.f32 v2, v1;
	v2 =	vmul.f32 v26, v25  }
0x10f: {  	v27 =	vunpack.i.l.bf16.f32 v3;
	v28 =	vunpack.i.l.bf16.f32 v24  }
0x110: {  	v1 =	vadd.f32 v1, v2;
	v2 =	vmul.f32 v28, v27  }
0x111: {  	v3 =	vunpack.i.u.bf16.f32 v3;
	v4 =	vunpack.i.u.bf16.f32 v24  }
0x112: {  	v1 =	vadd.f32 v2, v1;
	v2 =	vmul.f32 v4, v3;
	_ =	sdelay $0x1  }
0x113: {  	v1 =	vadd.f32 v1, v2;
	_ =	sdelay $0x1  }
0x114: {  	(xrf2) =	vadd.scan.msk.f32 $0xffff, v1  }
0x115: {  	s24 =	sadd.s32 $0xFFFFFFF9, s20  }
0x116: {  	v1 =	vmov s24  }
0x117: {  	v1 =	vshrl.u32 v1, $0x3  }
0x118: {  	v1 =	vshll.u32 v1, v0  }
0x119: {  	v1 =	vbroadcast v1, $0x0;
	_ =	sdelay $0x4  }
0x11a: {  	v2, _, _ =	vpop (xrf2)  }
0x11b: {  	[tilespmem:v1+s17+$0x0] =	vst.idx.msk vm0, v2  }
0x11c: {  	v1 =	vld [tilespmem:s22+$0x20]  }
0x11d: {  	v2 =	vld [tilespmem:s21+$0x20]  }
0x11e: {  	v3 =	vld [tilespmem:s22+$0x30]  }
0x11f: {  	v29 =	vld [tilespmem:s21+$0x30];
	_ =	sdelay $0x1  }
0x120: {  	v30 =	vunpack.i.u.bf16.f32 v1  }
0x121: {  	v1 =	vunpack.i.l.bf16.f32 v1;
	v31 =	vunpack.i.u.bf16.f32 v2;
	v2 =	vunpack.i.l.bf16.f32 v2  }
0x122: {  	v1 =	vmul.f32 v2, v1;
	v2 =	vmul.f32 v31, v30  }
0x123: {  	v32 =	vunpack.i.l.bf16.f32 v3;
	v33 =	vunpack.i.l.bf16.f32 v29  }
0x124: {  	v1 =	vadd.f32 v1, v2;
	v2 =	vmul.f32 v33, v32  }
0x125: {  	v3 =	vunpack.i.u.bf16.f32 v3;
	v4 =	vunpack.i.u.bf16.f32 v29  }
0x126: {  	v1 =	vadd.f32 v2, v1;
	v2 =	vmul.f32 v4, v3;
	_ =	sdelay $0x1  }
0x127: {  	v1 =	vadd.f32 v1, v2;
	_ =	sdelay $0x1  }
0x128: {  	s24 =	sadd.s32 $0xFFFFFFFA, s20;
	(xrf2) =	vadd.scan.msk.f32 $0xffff, v1  }
0x129: {  	v1 =	vmov s24  }
0x12a: {  	v1 =	vshrl.u32 v1, $0x3  }
0x12b: {  	v1 =	vshll.u32 v1, v0  }
0x12c: {  	v1 =	vadd.s32 $0x1, v1  }
0x12d: {  	v1 =	vbroadcast v1, $0x0;
	_ =	sdelay $0x4  }
0x12e: {  	v2, _, _ =	vpop (xrf2)  }
0x12f: {  	[tilespmem:v1+s17+$0x0] =	vst.idx.msk vm0, v2  }
0x130: {  	v1 =	vld [tilespmem:s22+$0x40]  }
0x131: {  	v2 =	vld [tilespmem:s21+$0x40]  }
0x132: {  	v3 =	vld [tilespmem:s22+$0x50]  }
0x133: {  	v34 =	vld [tilespmem:s21+$0x50];
	_ =	sdelay $0x1  }
0x134: {  	v35 =	vunpack.i.u.bf16.f32 v1  }
0x135: {  	v1 =	vunpack.i.l.bf16.f32 v1;
	v36 =	vunpack.i.u.bf16.f32 v2;
	v2 =	vunpack.i.l.bf16.f32 v2  }
0x136: {  	v1 =	vmul.f32 v2, v1;
	v2 =	vmul.f32 v36, v35  }
0x137: {  	v37 =	vunpack.i.l.bf16.f32 v3;
	v38 =	vunpack.i.l.bf16.f32 v34  }
0x138: {  	v1 =	vadd.f32 v1, v2;
	v2 =	vmul.f32 v38, v37  }
0x139: {  	v3 =	vunpack.i.u.bf16.f32 v3;
	v4 =	vunpack.i.u.bf16.f32 v34  }
0x13a: {  	v1 =	vadd.f32 v2, v1;
	v2 =	vmul.f32 v4, v3;
	_ =	sdelay $0x1  }
0x13b: {  	v1 =	vadd.f32 v1, v2;
	_ =	sdelay $0x1  }
0x13c: {  	s24 =	sadd.s32 $0xFFFFFFFB, s20;
	(xrf2) =	vadd.scan.msk.f32 $0xffff, v1  }
0x13d: {  	v1 =	vmov s24  }
0x13e: {  	v1 =	vshrl.u32 v1, $0x3  }
0x13f: {  	v1 =	vshll.u32 v1, v0  }
0x140: {  	v1 =	vadd.s32 $0x2, v1  }
0x141: {  	v1 =	vbroadcast v1, $0x0;
	_ =	sdelay $0x4  }
0x142: {  	v2, _, _ =	vpop (xrf2)  }
0x143: {  	[tilespmem:v1+s17+$0x0] =	vst.idx.msk vm0, v2  }
0x144: {  	v1 =	vld [tilespmem:s22+$0x60]  }
0x145: {  	v2 =	vld [tilespmem:s21+$0x60]  }
0x146: {  	v3 =	vld [tilespmem:s22+$0x70]  }
0x147: {  	v39 =	vld [tilespmem:s21+$0x70];
	_ =	sdelay $0x1  }
0x148: {  	v40 =	vunpack.i.u.bf16.f32 v1  }
0x149: {  	v1 =	vunpack.i.l.bf16.f32 v1;
	v41 =	vunpack.i.u.bf16.f32 v2;
	v2 =	vunpack.i.l.bf16.f32 v2  }
0x14a: {  	v1 =	vmul.f32 v2, v1;
	v2 =	vmul.f32 v41, v40  }
0x14b: {  	v42 =	vunpack.i.l.bf16.f32 v3;
	v43 =	vunpack.i.l.bf16.f32 v39  }
0x14c: {  	v1 =	vadd.f32 v1, v2;
	v2 =	vmul.f32 v43, v42  }
0x14d: {  	v3 =	vunpack.i.u.bf16.f32 v3;
	v4 =	vunpack.i.u.bf16.f32 v39  }
0x14e: {  	v1 =	vadd.f32 v2, v1;
	v2 =	vmul.f32 v4, v3;
	_ =	sdelay $0x1  }
0x14f: {  	v1 =	vadd.f32 v1, v2;
	_ =	sdelay $0x1  }
0x150: {  	s24 =	sadd.s32 $0xFFFFFFFC, s20;
	(xrf2) =	vadd.scan.msk.f32 $0xffff, v1  }
0x151: {  	v1 =	vmov s24  }
0x152: {  	v1 =	vshrl.u32 v1, $0x3  }
0x153: {  	v1 =	vshll.u32 v1, v0  }
0x154: {  	v1 =	vadd.s32 $0x3, v1  }
0x155: {  	v1 =	vbroadcast v1, $0x0;
	_ =	sdelay $0x4  }
0x156: {  	v2, _, _ =	vpop (xrf2)  }
0x157: {  	[tilespmem:v1+s17+$0x0] =	vst.idx.msk vm0, v2  }
0x158: {  	v1 =	vld [tilespmem:s22+$0x80]  }
0x159: {  	v2 =	vld [tilespmem:s21+$0x80]  }
0x15a: {  	v3 =	vld [tilespmem:s22+$0x90]  }
0x15b: {  	v44 =	vld [tilespmem:s21+$0x90];
	_ =	sdelay $0x1  }
0x15c: {  	v45 =	vunpack.i.u.bf16.f32 v1  }
0x15d: {  	v1 =	vunpack.i.l.bf16.f32 v1;
	v46 =	vunpack.i.u.bf16.f32 v2;
	v2 =	vunpack.i.l.bf16.f32 v2  }
0x15e: {  	v1 =	vmul.f32 v2, v1;
	v2 =	vmul.f32 v46, v45  }
0x15f: {  	v47 =	vunpack.i.l.bf16.f32 v3;
	v48 =	vunpack.i.l.bf16.f32 v44  }
0x160: {  	v1 =	vadd.f32 v1, v2;
	v2 =	vmul.f32 v48, v47  }
0x161: {  	v3 =	vunpack.i.u.bf16.f32 v3;
	v4 =	vunpack.i.u.bf16.f32 v44  }
0x162: {  	v1 =	vadd.f32 v2, v1;
	v2 =	vmul.f32 v4, v3;
	_ =	sdelay $0x1  }
0x163: {  	v1 =	vadd.f32 v1, v2;
	_ =	sdelay $0x1  }
0x164: {  	s24 =	sadd.s32 $0xFFFFFFFD, s20;
	(xrf2) =	vadd.scan.msk.f32 $0xffff, v1  }
0x165: {  	v1 =	vmov s24  }
0x166: {  	v1 =	vshrl.u32 v1, $0x3  }
0x167: {  	v1 =	vshll.u32 v1, v0  }
0x168: {  	v1 =	vadd.s32 $0x4, v1  }
0x169: {  	v1 =	vbroadcast v1, $0x0;
	_ =	sdelay $0x4  }
0x16a: {  	v2, _, _ =	vpop (xrf2)  }
0x16b: {  	[tilespmem:v1+s17+$0x0] =	vst.idx.msk vm0, v2  }
0x16c: {  	v1 =	vld [tilespmem:s22+$0xA0]  }
0x16d: {  	v2 =	vld [tilespmem:s21+$0xA0]  }
0x16e: {  	v3 =	vld [tilespmem:s22+$0xB0]  }
0x16f: {  	v49 =	vld [tilespmem:s21+$0xB0];
	_ =	sdelay $0x1  }
0x170: {  	v50 =	vunpack.i.u.bf16.f32 v1  }
0x171: {  	v1 =	vunpack.i.l.bf16.f32 v1;
	v51 =	vunpack.i.u.bf16.f32 v2;
	v2 =	vunpack.i.l.bf16.f32 v2  }
0x172: {  	v1 =	vmul.f32 v2, v1;
	v2 =	vmul.f32 v51, v50  }
0x173: {  	v52 =	vunpack.i.l.bf16.f32 v3;
	v53 =	vunpack.i.l.bf16.f32 v49  }
0x174: {  	v1 =	vadd.f32 v1, v2;
	v2 =	vmul.f32 v53, v52  }
0x175: {  	v3 =	vunpack.i.u.bf16.f32 v3;
	v4 =	vunpack.i.u.bf16.f32 v49  }
0x176: {  	v1 =	vadd.f32 v2, v1;
	v2 =	vmul.f32 v4, v3;
	_ =	sdelay $0x1  }
0x177: {  	v1 =	vadd.f32 v1, v2;
	_ =	sdelay $0x1  }
0x178: {  	s24 =	sadd.s32 $0xFFFFFFFE, s20;
	(xrf2) =	vadd.scan.msk.f32 $0xffff, v1  }
0x179: {  	v1 =	vmov s24  }
0x17a: {  	v1 =	vshrl.u32 v1, $0x3  }
0x17b: {  	v1 =	vshll.u32 v1, v0  }
0x17c: {  	v1 =	vadd.s32 $0x5, v1  }
0x17d: {  	v1 =	vbroadcast v1, $0x0;
	_ =	sdelay $0x4  }
0x17e: {  	v2, _, _ =	vpop (xrf2)  }
0x17f: {  	[tilespmem:v1+s17+$0x0] =	vst.idx.msk vm0, v2  }
0x180: {  	v1 =	vld [tilespmem:s22+$0xC0]  }
0x181: {  	v2 =	vld [tilespmem:s21+$0xC0]  }
0x182: {  	v3 =	vld [tilespmem:s22+$0xD0]  }
0x183: {  	v54 =	vld [tilespmem:s21+$0xD0];
	_ =	sdelay $0x1  }
0x184: {  	v55 =	vunpack.i.u.bf16.f32 v1  }
0x185: {  	v1 =	vunpack.i.l.bf16.f32 v1;
	v56 =	vunpack.i.u.bf16.f32 v2;
	v2 =	vunpack.i.l.bf16.f32 v2  }
0x186: {  	v1 =	vmul.f32 v2, v1;
	v2 =	vmul.f32 v56, v55  }
0x187: {  	v57 =	vunpack.i.l.bf16.f32 v3;
	v58 =	vunpack.i.l.bf16.f32 v54  }
0x188: {  	v1 =	vadd.f32 v1, v2;
	v2 =	vmul.f32 v58, v57  }
0x189: {  	v3 =	vunpack.i.u.bf16.f32 v3;
	v4 =	vunpack.i.u.bf16.f32 v54  }
0x18a: {  	v1 =	vadd.f32 v2, v1;
	v2 =	vmul.f32 v4, v3;
	_ =	sdelay $0x1  }
0x18b: {  	v1 =	vadd.f32 v1, v2;
	_ =	sdelay $0x1  }
0x18c: {  	s24 =	sadd.s32 $0xFFFFFFFF, s20;
	(xrf2) =	vadd.scan.msk.f32 $0xffff, v1  }
0x18d: {  	v1 =	vmov s24  }
0x18e: {  	v1 =	vshrl.u32 v1, $0x3  }
0x18f: {  	v1 =	vshll.u32 v1, v0  }
0x190: {  	v1 =	vadd.s32 $0x6, v1  }
0x191: {  	v1 =	vbroadcast v1, $0x0;
	_ =	sdelay $0x4  }
0x192: {  	v2, _, _ =	vpop (xrf2)  }
0x193: {  	[tilespmem:v1+s17+$0x0] =	vst.idx.msk vm0, v2  }
0x194: {  	v1 =	vld [tilespmem:s22+$0xE0]  }
0x195: {  	v2 =	vld [tilespmem:s21+$0xE0]  }
0x196: {  	v3 =	vld [tilespmem:s22+$0xF0]  }
0x197: {  	v59 =	vld [tilespmem:s21+$0xF0];
	_ =	sdelay $0x1  }
0x198: {  	v60 =	vunpack.i.u.bf16.f32 v1  }
0x199: {  	v1 =	vunpack.i.l.bf16.f32 v1;
	v61 =	vunpack.i.u.bf16.f32 v2;
	v2 =	vunpack.i.l.bf16.f32 v2  }
0x19a: {  	v1 =	vmul.f32 v2, v1;
	v2 =	vmul.f32 v61, v60  }
0x19b: {  	v62 =	vunpack.i.l.bf16.f32 v3;
	v63 =	vunpack.i.l.bf16.f32 v59  }
0x19c: {  	v1 =	vadd.f32 v1, v2;
	v2 =	vmul.f32 v63, v62  }
0x19d: {  	v3 =	vunpack.i.u.bf16.f32 v3;
	v4 =	vunpack.i.u.bf16.f32 v59  }
0x19e: {  	v1 =	vadd.f32 v2, v1;
	v2 =	vmul.f32 v4, v3;
	_ =	sdelay $0x1  }
0x19f: {  	v1 =	vadd.f32 v1, v2;
	_ =	sdelay $0x1  }
0x1a0: {  	(xrf2) =	vadd.scan.msk.f32 $0xffff, v1  }
0x1a1: {  	v1 =	vmov s20  }
0x1a2: {  	v1 =	vshrl.u32 v1, $0x3  }
0x1a3: {  	v1 =	vshll.u32 v1, v0  }
0x1a4: {  	v1 =	vadd.s32 $0x7, v1  }
0x1a5: {  	v1 =	vbroadcast v1, $0x0  }
0x1a6: {  	p0 =	sne.s32 s20, $0x1FF  }
.Ltmp0:
0x1a7: {  	_ = 	snop;
	(pc) =	sbr.rel @p0 .LBB2_2-.Ltmp0, $3  }
0x1a8: {  	_ =	sdelay $0x1  }
0x1a9: {  	v2, _, _ =	vpop (xrf2)  }
0x1aa: {  	s21 =	sadd.s32 $0x200, s21;
	s22 =	sadd.s32 $0x200, s22;
	s20 =	sadd.s32 $0x10, s20;
	[tilespmem:v1+s17+$0x0] =	vst.idx.msk vm0, v2  }
0x1ab: {  	v1 =	vld [tilespmem:$0x8800]  }
0x1ac: {  	v2 =	vld [tilespmem:$0x8400]  }
0x1ad: {  	v3 =	vld [tilespmem:$0x8600]  }
0x1ae: {  	v4 =	vld [tilespmem:$0x8810]  }
0x1af: {  	v5 =	vld [tilespmem:$0x8410]  }
0x1b0: {  	v6 =	vld [tilespmem:$0x8610]  }
0x1b1: {  	v7 =	vld [tilespmem:$0x8820]  }
0x1b2: {  	v8 =	vld [tilespmem:$0x8420]  }
0x1b3: {  	v9 =	vld [tilespmem:$0x8620]  }
0x1b4: {  	v10 =	vld [tilespmem:$0x8830]  }
0x1b5: {  	v11 =	vld [tilespmem:$0x8430]  }
0x1b6: {  	v12 =	vld [tilespmem:$0x8630]  }
0x1b7: {  	v13 =	vld [tilespmem:$0x8840]  }
0x1b8: {  	v14 =	vld [tilespmem:$0x8440]  }
0x1b9: {  	v15 =	vld [tilespmem:$0x8640]  }
0x1ba: {  	v16 =	vld [tilespmem:$0x8850]  }
0x1bb: {  	v17 =	vld [tilespmem:$0x8450]  }
0x1bc: {  	v18 =	vld [tilespmem:$0x8650]  }
0x1bd: {  	v19 =	vld [tilespmem:$0x8860]  }
0x1be: {  	v20 =	vld [tilespmem:$0x8460]  }
0x1bf: {  	v21 =	vld [tilespmem:$0x8660]  }
0x1c0: {  	v22 =	vld [tilespmem:$0x8870]  }
0x1c1: {  	v23 =	vld [tilespmem:$0x8470]  }
0x1c2: {  	v24 =	vld [tilespmem:$0x8670]  }
0x1c3: {  	v25 =	vld [tilespmem:$0x8880]  }
0x1c4: {  	v26 =	vld [tilespmem:$0x8480]  }
0x1c5: {  	v27 =	vld [tilespmem:$0x8680]  }
0x1c6: {  	v28 =	vld [tilespmem:$0x8890]  }
0x1c7: {  	v29 =	vld [tilespmem:$0x8490]  }
0x1c8: {  	v30 =	vld [tilespmem:$0x8690]  }
0x1c9: {  	v31 =	vld [tilespmem:$0x88A0]  }
0x1ca: {  	v32 =	vld [tilespmem:$0x84A0]  }
0x1cb: {  	v33 =	vld [tilespmem:$0x86A0]  }
0x1cc: {  	v34 =	vld [tilespmem:$0x88B0]  }
0x1cd: {  	v35 =	vld [tilespmem:$0x84B0]  }
0x1ce: {  	v36 =	vld [tilespmem:$0x86B0]  }
0x1cf: {  	v37 =	vld [tilespmem:$0x88C0]  }
0x1d0: {  	v38 =	vld [tilespmem:$0x84C0]  }
0x1d1: {  	v39 =	vld [tilespmem:$0x86C0]  }
0x1d2: {  	v40 =	vld [tilespmem:$0x88D0]  }
0x1d3: {  	v41 =	vld [tilespmem:$0x84D0]  }
0x1d4: {  	v42 =	vld [tilespmem:$0x86D0]  }
0x1d5: {  	v43 =	vld [tilespmem:$0x88E0]  }
0x1d6: {  	v44 =	vld [tilespmem:$0x84E0]  }
0x1d7: {  	v45 =	vld [tilespmem:$0x86E0]  }
0x1d8: {  	v46 =	vld [tilespmem:$0x88F0]  }
0x1d9: {  	v47 =	vld [tilespmem:$0x84F0]  }
0x1da: {  	v48 =	vld [tilespmem:$0x86F0]  }
0x1db: {  	v49 =	vld [tilespmem:$0x8900]  }
0x1dc: {  	v50 =	vld [tilespmem:$0x8500]  }
0x1dd: {  	v57 =	vld [tilespmem:$0x8700]  }
0x1de: {  	v52 =	vld [tilespmem:$0x8910]  }
0x1df: {  	v53 =	vld [tilespmem:$0x8510]  }
0x1e0: {  	v60 =	vld [tilespmem:$0x8710]  }
0x1e1: {  	v55 =	vld [tilespmem:$0x8920]  }
0x1e2: {  	v56 =	vld [tilespmem:$0x8520]  }
0x1e3: {  	v51 =	vld [tilespmem:$0x8720]  }
0x1e4: {  	v58 =	vld [tilespmem:$0x8930]  }
0x1e5: {  	v62 =	vld [tilespmem:$0x8730]  }
0x1e6: {  	v63 =	vld [tilespmem:$0x8740]  }
0x1e7: {  	v59 =	vld [tilespmem:$0x8530]  }
0x1e8: {  	v61 =	vld [tilespmem:$0x8940];
	v1 =	vadd.f32 v2, v1  }
0x1e9: {  	v54 =	vld [tilespmem:$0x8950];
	[tilespmem:$0x1FFC0] =	vst v51  }
0x1ea: {  	[tilespmem:$0x1FFD0] =	vst v62;
	v62 =	vld [tilespmem:$0x8540];
	v1 =	vadd.f32 v3, v1;
	v3 =	vadd.f32 v8, v7  }
0x1eb: {  	[tilespmem:$0x1FFE0] =	vst v63;
	v51 =	vld [tilespmem:$0x8550]  }
0x1ec: {  	v63 =	vld [tilespmem:$0x8750];
	[tilespmem:$0x8800] =	vst v1;
	v1 =	vadd.f32 v9, v3;
	v3 =	vadd.f32 v14, v13  }
0x1ed: {  	v2 =	vld [tilespmem:$0x8560];
	v4 =	vadd.f32 v5, v4  }
0x1ee: {  	v5 =	vld [tilespmem:$0x8760];
	[tilespmem:$0x8820] =	vst v1;
	v1 =	vadd.f32 v15, v3;
	v3 =	vadd.f32 v20, v19  }
0x1ef: {  	v7 =	vld [tilespmem:$0x8970]  }
0x1f0: {  	v8 =	vld [tilespmem:$0x8570];
	[tilespmem:$0x8840] =	vst v1;
	v1 =	vadd.f32 v21, v3;
	v3 =	vadd.f32 v26, v25  }
0x1f1: {  	v4 =	vadd.f32 v6, v4;
	v6 =	vadd.f32 v11, v10;
	v10 =	vld [tilespmem:$0x8980]  }
0x1f2: {  	v11 =	vld [tilespmem:$0x8580];
	[tilespmem:$0x8860] =	vst v1;
	v1 =	vadd.f32 v27, v3;
	v3 =	vadd.f32 v32, v31  }
0x1f3: {  	v9 =	vld [tilespmem:$0x8770];
	v14 =	vadd.f32 v12, v6  }
0x1f4: {  	v12 =	vld [tilespmem:$0x8780];
	[tilespmem:$0x8880] =	vst v1;
	v1 =	vadd.f32 v33, v3;
	v3 =	vadd.f32 v38, v37  }
0x1f5: {  	v13 =	vld [tilespmem:$0x8990];
	[tilespmem:$0x1FFF0] =	vst v63  }
0x1f6: {  	v63 =	vld [tilespmem:$0x8960];
	[tilespmem:$0x88A0] =	vst v1;
	v1 =	vadd.f32 v39, v3;
	v3 =	vadd.f32 v44, v43  }
0x1f7: {  	[tilespmem:$0x8830] =	vst v14;
	v14 =	vld [tilespmem:$0x8590]  }
0x1f8: {  	v15 =	vld [tilespmem:$0x8790];
	[tilespmem:$0x88C0] =	vst v1;
	v1 =	vadd.f32 v45, v3;
	v3 =	vadd.f32 v50, v49  }
0x1f9: {  	v25 =	vadd.f32 v29, v28;
	v28 =	vld [tilespmem:$0x89A0]  }
0x1fa: {  	v29 =	vld [tilespmem:$0x85A0];
	[tilespmem:$0x88E0] =	vst v1;
	v1 =	vadd.f32 v57, v3  }
0x1fb: {  	v32 =	vld [tilespmem:$0x87A0]  }
0x1fc: {  	v23 =	vadd.f32 v23, v22;
	[tilespmem:$0x8900] =	vst v1;
	v1 =	vld [tilespmem:$0x1FFC0]  }
0x1fd: {  	v17 =	vadd.f32 v17, v16;
	v31 =	vadd.f32 v41, v40;
	v40 =	vld [tilespmem:$0x89C0]  }
0x1fe: {  	v24 =	vadd.f32 v24, v23;
	v27 =	vadd.f32 v35, v34;
	v41 =	vld [tilespmem:$0x85C0]  }
0x1ff: {  	v35 =	vadd.f32 v47, v46;
	v46 =	vld [tilespmem:$0x1FFD0];
	v3 =	vadd.f32 v56, v55  }
0x200: {  	[tilespmem:$0x8810] =	vst v4;
	v20 =	vadd.f32 v18, v17;
	v47 =	vadd.f32 v51, v54;
	v51 =	vld [tilespmem:$0x89E0]  }
0x201: {  	[tilespmem:$0x8870] =	vst v24;
	v33 =	vld [tilespmem:$0x89B0];
	v1 =	vadd.f32 v1, v3  }
0x202: {  	[tilespmem:$0x8850] =	vst v20;
	v26 =	vadd.f32 v30, v25;
	v30 =	vadd.f32 v36, v27;
	v36 =	vld [tilespmem:$0x85B0]  }
0x203: {  	[tilespmem:$0x8920] =	vst v1;
	v1 =	vld [tilespmem:$0x1FFE0]  }
0x204: {  	[tilespmem:$0x8890] =	vst v26;
	v34 =	vadd.f32 v42, v31;
	v37 =	vld [tilespmem:$0x87B0];
	v39 =	vadd.f32 v53, v52  }
0x205: {  	v38 =	vadd.f32 v48, v35;
	v48 =	vld [tilespmem:$0x85D0];
	[tilespmem:$0x88B0] =	vst v30;
	v43 =	vadd.f32 v59, v58  }
0x206: {  	[tilespmem:$0x88D0] =	vst v34;
	v44 =	vld [tilespmem:$0x87C0];
	v42 =	vadd.f32 v60, v39;
	v3 =	vadd.f32 v62, v61  }
0x207: {  	[tilespmem:$0x88F0] =	vst v38;
	v52 =	vld [tilespmem:$0x85E0];
	v4 =	vadd.f32 v46, v43;
	v50 =	vadd.f32 v8, v7  }
0x208: {  	v2 =	vadd.f32 v2, v63;
	v49 =	vld [tilespmem:$0x1FFF0];
	[tilespmem:$0x8910] =	vst v42;
	v1 =	vadd.f32 v1, v3  }
0x209: {  	v54 =	vadd.f32 v14, v13;
	v45 =	vld [tilespmem:$0x89D0];
	[tilespmem:$0x8930] =	vst v4;
	v53 =	vadd.f32 v9, v50  }
0x20a: {  	v55 =	vld [tilespmem:$0x89F0];
	[tilespmem:$0x8940] =	vst v1;
	v1 =	vadd.f32 v5, v2;
	v2 =	vadd.f32 v11, v10  }
0x20b: {  	v56 =	vld [tilespmem:$0x85F0];
	v57 =	vadd.f32 v15, v54;
	[tilespmem:$0x8970] =	vst v53  }
0x20c: {  	v3 =	vld [tilespmem:$0x87D0];
	[tilespmem:$0x8960] =	vst v1;
	v1 =	vadd.f32 v12, v2;
	v2 =	vadd.f32 v29, v28  }
0x20d: {  	v59 =	vld [tilespmem:$0x87E0];
	v58 =	vadd.f32 v36, v33;
	[tilespmem:$0x8990] =	vst v57;
	v4 =	vadd.f32 v49, v47  }
0x20e: {  	v60 =	vld [tilespmem:$0x87F0];
	[tilespmem:$0x8980] =	vst v1;
	v1 =	vadd.f32 v32, v2;
	v2 =	vadd.f32 v41, v40  }
0x20f: {  	[tilespmem:$0x8950] =	vst v4;
	v61 =	vadd.f32 v37, v58;
	v62 =	vadd.f32 v48, v45  }
0x210: {  	[tilespmem:$0x89A0] =	vst v1;
	v1 =	vadd.f32 v44, v2;
	v2 =	vadd.f32 v52, v51  }
0x211: {  	v63 =	vadd.f32 v56, v55;
	[tilespmem:$0x89B0] =	vst v61;
	v3 =	vadd.f32 v3, v62  }
0x212: {  	[tilespmem:$0x89C0] =	vst v1;
	v1 =	vadd.f32 v59, v2  }
0x213: {  	s18 =	sadd.s32 $0x1, s18;
	[tilespmem:$0x89D0] =	vst v3;
	v2 =	vadd.f32 v60, v63  }
0x214: {  	p0 =	sne.s32 s18, s10;
	[tilespmem:$0x89E0] =	vst v1  }
.Ltmp1:
0x215: {  	[tilespmem:$0x89F0] =	vst v2;
	(pc) =	sbr.rel @p0 .LBB2_1-.Ltmp1, $4  }
0x216: {  	[hbm4b:s9+s1] =	stream.linear.scatter [tilespmem:s17], [sflag:$0x2], $0x200, $0x38;
	[tilespmem:$0x8A00] =	vst v63  }
0x217: {  	_ =	swait.ge [sflag:s11], $0x200  }
0x218: {  	[sflag:s11] =	ssyncset.done $0x0  }
0x219: {  	[sflag:s11] =	ssyncadd.s32 $0xFFFFFE00  }
0x21a: {  	_ =	sfence.sel $0x180000  }
0x21b: {  	[bflag:$0x0] =	sbarrier.arrive $0xFFFF  }
0x21c: {  	_ =	strace $0x90000047  }
0x21d: {  	s0 =	stileid.u32;
	[bflag:$0x2] =	sbarrier.arrive $0xFFFF  }
0x21e: {  	p0 =	sne.s32 s0, $0x0;
	s0 =	rddreg [dreg:$0x4]  }
0x21f: {  	s0 =	sadd.s32 @!p0 $0x100000, s0  }
0x220: {  	[sflag:s0] =	ssyncadd.tile.s32 @!p0 $0x1;
	_ =	shalt  }
.Lfunc_end2:
_tile_overlayer_lowered:
.L_overlay_start_2:
0x221: {  	(tag) =	ssettag $0x2  }
0x222: {  	s0 =	rddreg [dreg:$0x0];
	s2 =	stileid.u32  }
0x223: {  	s1 =	rddreg [dreg:$0x1];
	p0 =	sne.s32 s2, $0x0  }
0x224: {  	s3 =	rddreg [dreg:$0x2];
	[bflag:$0x3] =	sbarrier.arrive $0xFFFF;
	s2 =	simm.s32 @!p0 $0x1C02  }
0x225: {  	[timem:s3], [sflag:s2] =	dma.local @!p0 [hbm:s0], s1  }
0x226: {  	s0 =	simm.s32 @!p0 $0x2  }
0x227: {  	_ =	swait.ge @!p0 [sflag:s0], s1  }
0x228: {  	s1 =	ssub.s32 @!p0 $0x0, s1;
	[sflag:s0] =	ssyncset.done @!p0 $0x0  }
0x229: {  	[sflag:s0] =	ssyncadd.s32 @!p0 s1  }
0x22a: {  	[bflag:$0x3] =	sbarrier.arrive $0xFFFF  }
0x22b: {  	_ =	shalt  }

</sc_bundles>
